<compile_context>
chip_gen: v7x
topology: tpu7x:2x2x1
jax: 0.10.2.dev20260603
libtpu: 0.0.44.dev20260713+nightly
codegen_flags: <defaults>
</compile_context>

<pallas_src>
import functools

import jax
import jax.numpy as jnp
from jax import lax
from jax.experimental import pallas as pl
from jax.experimental.pallas import tpu as pltpu
from jax.experimental.pallas import tpu_sc as plsc

_NC = 2
_NS = 16
_CH = 80


def _pad_rows(n):
  return ((n + 1) + 127) // 128 * 128


def _edge_iters(e):
  nw = _NC * _NS
  it = (e + nw * _CH - 1) // (nw * _CH)
  return ((it - 2 + 1) // 2) * 2 + 2


def _sc_degree(dst3, cst, npad, iters):
  rpt = npad // _NS

  @functools.partial(
      pl.kernel,
      out_type=jax.ShapeDtypeStruct((_NC, npad, 128), jnp.float32),
      mesh=plsc.VectorSubcoreMesh(core_axis_name="c", subcore_axis_name="s"),
      scratch_types=[
          pltpu.VMEM((iters, _CH), jnp.int32),
          pltpu.VMEM((_CH, 128), jnp.float32),
          pltpu.SemaphoreType.DMA,
          pltpu.VMEM_SHARED((npad, 128), jnp.float32),
      ],
  )
  def k(dst_hbm, cst_hbm, out_hbm, idx_v, ones_v, sem, acc_sh):
    cid = lax.axis_index("c")
    sid = lax.axis_index("s")
    wid = cid * _NS + sid

    pltpu.sync_copy(dst_hbm.at[wid], idx_v)
    pltpu.sync_copy(cst_hbm.at[pl.ds(sid * rpt, rpt)],
                    acc_sh.at[pl.ds(sid * rpt, rpt)])
    pltpu.sync_copy(cst_hbm.at[pl.ds(npad, _CH)], ones_v)
    plsc.subcore_barrier()

    def fire(i, _):
      pltpu.async_copy(ones_v, acc_sh.at[idx_v.at[i]], sem, add=True)
      return 0

    lax.fori_loop(0, iters, fire, 0)

    def drain(i, _):
      pltpu.make_async_copy(ones_v, acc_sh.at[idx_v.at[0]], sem).wait()
      return 0

    lax.fori_loop(0, iters, drain, 0)
    plsc.subcore_barrier()
    pltpu.sync_copy(
        acc_sh.at[pl.ds(sid * rpt, rpt)],
        out_hbm.at[cid, pl.ds(sid * rpt, rpt)],
    )

  return k(dst3, cst)


def _sc_edge_sum(vals, srcp, dstp, zeros, npad, iters):
  rpt = npad // _NS

  @functools.partial(
      pl.kernel,
      out_type=jax.ShapeDtypeStruct((_NC, npad, 128), jnp.float32),
      mesh=plsc.VectorSubcoreMesh(core_axis_name="c", subcore_axis_name="s"),
      scratch_types=[
          pltpu.VMEM((_CH,), jnp.int32),
          pltpu.VMEM((_CH,), jnp.int32),
          pltpu.VMEM((_CH,), jnp.int32),
          pltpu.VMEM((_CH,), jnp.int32),
          pltpu.VMEM((_CH, 128), jnp.float32),
          pltpu.VMEM((_CH, 128), jnp.float32),
          pltpu.SemaphoreType.DMA,
          pltpu.SemaphoreType.DMA,
          pltpu.VMEM_SHARED((npad, 128), jnp.float32),
      ],
  )
  def k(vals_hbm, src_hbm, dst_hbm, zeros_hbm, out_hbm, s0, s1, d0, d1,
        r0, r1, g0, g1, acc_sh):
    cid = lax.axis_index("c")
    sid = lax.axis_index("s")
    wid = cid * _NS + sid
    sidx = (s0, s1)
    didx = (d0, d1)
    rows = (r0, r1)
    gsem = (g0, g1)

    pltpu.sync_copy(zeros_hbm.at[pl.ds(sid * rpt, rpt)],
                    acc_sh.at[pl.ds(sid * rpt, rpt)])

    def idx_load(j, b):
      base = (wid * iters + j) * _CH
      pltpu.sync_copy(src_hbm.at[pl.ds(base, _CH)], sidx[b])
      pltpu.sync_copy(dst_hbm.at[pl.ds(base, _CH)], didx[b])

    def gather(b):
      pltpu.async_copy(vals_hbm.at[sidx[b]], rows[b], gsem[b])

    def gather_wait(b):
      pltpu.make_async_copy(vals_hbm.at[sidx[b]], rows[b], gsem[b]).wait()

    def scatter_sync(b):
      pltpu.sync_copy(rows[b], acc_sh.at[didx[b]], add=True)

    idx_load(0, 0)
    gather(0)
    plsc.subcore_barrier()

    def step(j, b, last):
      if not last:
        idx_load(j + 1, 1 - b)
        gather(1 - b)
      gather_wait(b)
      scatter_sync(b)

    step(0, 0, False)

    def pair(kk, _):
      step_dyn(2 * kk + 1, 1)
      step_dyn(2 * kk + 2, 0)
      return 0

    def step_dyn(j, b):
      idx_load(j + 1, 1 - b)
      gather(1 - b)
      gather_wait(b)
      scatter_sync(b)

    lax.fori_loop(0, (iters - 2) // 2, pair, 0)
    step(iters - 1, (iters - 1) % 2, True)
    plsc.subcore_barrier()
    pltpu.sync_copy(
        acc_sh.at[pl.ds(sid * rpt, rpt)],
        out_hbm.at[cid, pl.ds(sid * rpt, rpt)],
    )

  return k(vals, srcp, dstp, zeros)


def _tc_bn0_body(x_ref, g_ref, b_ref, h_ref):
  xv = x_ref[...]
  mean = jnp.mean(xv, axis=0, keepdims=True)
  var = jnp.mean((xv - mean) ** 2, axis=0, keepdims=True)
  h_ref[...] = (xv - mean) * lax.rsqrt(var + 1e-5) * g_ref[...] + b_ref[...]


def _tc_scale_body(h_ref, d_ref, m_ref, dv_ref):
  n = h_ref.shape[0]
  npad = m_ref.shape[0]
  deg = d_ref[0, 0:n, 0:1] + d_ref[1, 0:n, 0:1] + 1.0
  dinv = lax.rsqrt(deg)
  m = h_ref[...] * dinv
  m_ref[...] = jnp.concatenate(
      [m, jnp.zeros((npad - n, m.shape[1]), m.dtype)], axis=0)
  dv_ref[...] = jnp.broadcast_to(dinv, dv_ref.shape)


def _tc_mid_body(p_ref, m_ref, dv_ref, w1_ref, b1_ref, g1_ref, be1_ref,
                 wr_ref, wn_ref, bg_ref, z_ref, r_ref):
  n = dv_ref.shape[0]
  npad = m_ref.shape[0]
  pre = (p_ref[0, 0:n] + p_ref[1, 0:n] + m_ref[0:n]) * dv_ref[:, 0:1]
  h1 = jnp.dot(pre, w1_ref[...], preferred_element_type=jnp.float32)
  a = jnp.maximum(h1 + b1_ref[...], 0.0)
  mean = jnp.mean(a, axis=0, keepdims=True)
  var = jnp.mean((a - mean) ** 2, axis=0, keepdims=True)
  h2 = (a - mean) * lax.rsqrt(var + 1e-5) * g1_ref[...] + be1_ref[...]
  zz = jnp.dot(h2, wn_ref[...], preferred_element_type=jnp.float32)
  zw = jnp.concatenate([zz, jnp.zeros_like(zz)], axis=1)
  z_ref[...] = jnp.concatenate(
      [zw, jnp.zeros((npad - n, zw.shape[1]), zw.dtype)], axis=0)
  r_ref[...] = (
      jnp.dot(h2, wr_ref[...], preferred_element_type=jnp.float32)
      + bg_ref[...]
  )


def _tc_head_body(r_ref, q_ref, w1_ref, b1_ref, w2_ref, b2_ref, o_ref):
  n, f2 = r_ref.shape
  out = jnp.maximum(
      r_ref[...] + q_ref[0, 0:n, 0:f2] + q_ref[1, 0:n, 0:f2], 0.0)
  h = jnp.maximum(
      jnp.dot(out, w1_ref[...], preferred_element_type=jnp.float32)
      + b1_ref[...], 0.0)
  o_ref[...] = (
      jnp.dot(h, w2_ref[...], preferred_element_type=jnp.float32)
      + b2_ref[...]
  )


def kernel(x, edge_index, bn0_gamma, bn0_beta, gcn1_W, gcn1_b, bn1_gamma,
           bn1_beta, gc2_W_root, gc2_W_nbr, gc2_b, fc1_W, fc1_b, fc2_W,
           fc2_b):
  n, c_in = x.shape
  e = edge_index.shape[1]
  f2 = gc2_W_root.shape[1]
  nc = fc2_W.shape[1]
  npad = _pad_rows(n)
  nw = _NC * _NS
  iters = _edge_iters(e)
  ep = nw * iters * _CH
  pad_edge = jnp.full((1, ep - e), n, jnp.int32)
  eip = jnp.concatenate([edge_index, jnp.broadcast_to(pad_edge, (2, ep - e))],
                        axis=1)
  srcp = eip[0]
  dstp = eip[1]
  dst3 = dstp.reshape(nw, iters, _CH)

  zeros = jnp.zeros((npad, 128), jnp.float32)
  cst = jnp.concatenate([zeros, jnp.ones((_CH, 128), jnp.float32)], axis=0)

  dcnt = _sc_degree(dst3, cst, npad, iters)

  h0 = pl.pallas_call(
      _tc_bn0_body,
      out_shape=jax.ShapeDtypeStruct((n, c_in), jnp.float32),
  )(x, bn0_gamma.reshape(1, -1), bn0_beta.reshape(1, -1))

  m, dv = pl.pallas_call(
      _tc_scale_body,
      out_shape=(
          jax.ShapeDtypeStruct((npad, c_in), jnp.float32),
          jax.ShapeDtypeStruct((n, 8), jnp.float32),
      ),
  )(h0, dcnt)

  p = _sc_edge_sum(m, srcp, dstp, zeros, npad, iters)

  z, r = pl.pallas_call(
      _tc_mid_body,
      out_shape=(
          jax.ShapeDtypeStruct((npad, 2 * f2), jnp.float32),
          jax.ShapeDtypeStruct((n, f2), jnp.float32),
      ),
  )(p, m, dv, gcn1_W, gcn1_b.reshape(1, -1), bn1_gamma.reshape(1, -1),
    bn1_beta.reshape(1, -1), gc2_W_root, gc2_W_nbr, gc2_b.reshape(1, -1))

  q = _sc_edge_sum(z, srcp, dstp, zeros, npad, iters)

  logits = pl.pallas_call(
      _tc_head_body,
      out_shape=jax.ShapeDtypeStruct((n, nc), jnp.float32),
  )(r, q, fc1_W, fc1_b.reshape(1, -1), fc2_W, fc2_b.reshape(1, -1))

  return logits

# --- scband reference (transcript-rebuilt; emitter-appended) ---
"""Pipeline reference for scband-graph-net-76656576299505 (READ-ONLY COPY).

The authoritative reference and input builder live on the scoring server;
editing this copy changes nothing except your own understanding.
"""

import jax, jax.numpy as jnp
import numpy as np

N = 10000
E = 320000
C_IN = 128
HID = 256
NC = 40


def setup_inputs(seed: int = 0) -> dict:
    key = jax.random.key(seed)
    ks = jax.random.split(key, 8)
    scale = 0.05
    inp = {}
    inp['x'] = jax.random.normal(ks[0], (N, C_IN), dtype=jnp.float32)
    inp['edge_index'] = jax.random.randint(ks[1], (2, E), 0, N, dtype=jnp.int32)
    # BatchNorm(c_in) params
    inp['bn0_gamma'] = jnp.ones((C_IN,), jnp.float32)
    inp['bn0_beta'] = jnp.zeros((C_IN,), jnp.float32)
    # GCNConv(c_in, hidden_size) params
    inp['gcn1_W'] = jax.random.normal(ks[2], (C_IN, HID), jnp.float32) * scale
    inp['gcn1_b'] = jnp.zeros((HID,), jnp.float32)
    # BatchNorm(hidden_size) params
    inp['bn1_gamma'] = jnp.ones((HID,), jnp.float32)
    inp['bn1_beta'] = jnp.zeros((HID,), jnp.float32)
    # GraphConv(hidden_size, 64) params (root weight + neighbor weight)
    inp['gc2_W_root'] = jax.random.normal(ks[3], (HID, 64), jnp.float32) * scale
    inp['gc2_W_nbr'] = jax.random.normal(ks[4], (HID, 64), jnp.float32) * scale
    inp['gc2_b'] = jnp.zeros((64,), jnp.float32)
    # classifier: Linear(64, 16) -> ReLU -> Linear(16, nc); dropouts are identity in eval
    inp['fc1_W'] = jax.random.normal(ks[5], (64, 16), jnp.float32) * scale
    inp['fc1_b'] = jnp.zeros((16,), jnp.float32)
    inp['fc2_W'] = jax.random.normal(ks[6], (16, NC), jnp.float32) * scale
    inp['fc2_b'] = jnp.zeros((NC,), jnp.float32)
    return inp


def _batch_norm(x, gamma, beta, eps=1e-5):
    # training-mode batch statistics over the node dimension (PyG gnn.BatchNorm == BatchNorm1d)
    mean = jnp.mean(x, axis=0)
    var = jnp.var(x, axis=0)
    return (x - mean) * jax.lax.rsqrt(var + eps) * gamma + beta


def _gcn_conv(x, src, dst, W, b, n):
    # GCNConv: symmetric normalization with self-loops, out = D^-1/2 (A+I) D^-1/2 (x W) + b
    xw = x @ W
    loop = jnp.arange(n, dtype=src.dtype)
    s = jnp.concatenate([src, loop])
    d = jnp.concatenate([dst, loop])
    deg = jax.ops.segment_sum(jnp.ones(s.shape[0], x.dtype), d, num_segments=n)
    dinv = jnp.where(deg > 0, jax.lax.rsqrt(deg), 0.0)
    norm = dinv[s] * dinv[d]
    msgs = xw[s] * norm[:, None]
    out = jax.ops.segment_sum(msgs, d, num_segments=n)
    return out + b


def _graph_conv(x, src, dst, W_root, W_nbr, b, n):
    # GraphConv: x_i' = W_root x_i + W_nbr * sum_{j in N(i)} x_j + b (add aggregation)
    aggr = jax.ops.segment_sum(x[src], dst, num_segments=n)
    return x @ W_root + aggr @ W_nbr + b


def reference(x, edge_index, bn0_gamma, bn0_beta, gcn1_W, gcn1_b, bn1_gamma, bn1_beta, gc2_W_root, gc2_W_nbr, gc2_b, fc1_W, fc1_b, fc2_W, fc2_b):
    n = x.shape[0]
    src, dst = edge_index[0], edge_index[1]
    h = _batch_norm(x, bn0_gamma, bn0_beta)
    h = _gcn_conv(h, src, dst, gcn1_W, gcn1_b, n)
    h = _batch_norm(jax.nn.relu(h), bn1_gamma, bn1_beta)
    h = jax.nn.relu(_graph_conv(h, src, dst, gc2_W_root, gc2_W_nbr, gc2_b, n))
    h = jax.nn.relu(h @ fc1_W + fc1_b)
    logits = h @ fc2_W + fc2_b
    return logits

if __name__ == "__main__":
    import jax
    _d = setup_inputs()
    print(jax.jit(kernel)(*tuple(_d.values())))

</pallas_src>

<mosaic_0001>
#map = affine_map<(d0, d1) -> (0, 0)>
#map1 = affine_map<(d0, d1) -> (0)>
#map2 = affine_map<(d0, d1) -> (0, 0, 0)>
module attributes {stable_mosaic.version = 14 : i64} {
  func.func @k(%arg0: i32, %arg1: i32, %arg2: memref<10112x128xf32, #tpu.memory_space<hbm>>, %arg3: memref<322560xi32, #tpu.memory_space<hbm>>, %arg4: memref<322560xi32, #tpu.memory_space<hbm>>, %arg5: memref<10112x128xf32, #tpu.memory_space<hbm>>, %arg6: memref<2x10112x128xf32, #tpu.memory_space<hbm>>, %arg7: memref<80xi32, #tpu.memory_space<vmem>>, %arg8: memref<80xi32, #tpu.memory_space<vmem>>, %arg9: memref<80xi32, #tpu.memory_space<vmem>>, %arg10: memref<80xi32, #tpu.memory_space<vmem>>, %arg11: memref<80x128xf32, #tpu.memory_space<vmem>>, %arg12: memref<80x128xf32, #tpu.memory_space<vmem>>, %arg13: memref<!tpu.dma_semaphore, #tpu.memory_space<semaphore_mem>>, %arg14: memref<!tpu.dma_semaphore, #tpu.memory_space<semaphore_mem>>, %arg15: memref<10112x128xf32, #tpu.memory_space<vmem_shared>>) attributes {dimension_semantics = [#tpu.dimension_semantics<core_parallel>, #tpu.dimension_semantics<subcore_parallel>], iteration_bounds = array<i64: 2, 16>, scalar_prefetch = 0 : i64, scratch_operands = 9 : i64, tpu.core_type = #tpu.core_type<sc_vector_subcore>, window_params = [{transform_indices = #map}, {transform_indices = #map1}, {transform_indices = #map1}, {transform_indices = #map}, {transform_indices = #map2}]} {
    %mul3A = arith.constant 16 : i32
    %mul3A_0 = arith.muli %arg0, %mul3A : i32
    %add3A = arith.addi %mul3A_0, %arg1 : i32
    %mul3A_1 = arith.constant 632 : i32
    %mul3A_2 = arith.muli %arg1, %mul3A_1 : i32
    %mul3A_3 = arith.constant 632 : i32
    %mul3A_4 = arith.muli %arg1, %mul3A_3 : i32
    "tpu.region"() ({
      %run_scoped3A = tpu.sem_alloc : memref<!tpu.dma_semaphore, #tpu.memory_space<semaphore_mem>>
      %dma_start3A_38 = arith.constant 0 : i32
      %dma_start3A_39 = tpu.memref_slice %arg15[%mul3A_4, %dma_start3A_38] : memref<10112x128xf32, #tpu.memory_space<vmem_shared>> -> memref<632x128xf32, #tpu.memory_space<vmem_shared>>
      %dma_start3A_40 = arith.constant 0 : i32
      %dma_start3A_41 = tpu.memref_slice %arg5[%mul3A_2, %dma_start3A_40] : memref<10112x128xf32, #tpu.memory_space<hbm>> -> memref<632x128xf32, #tpu.memory_space<hbm>>
      tpu.enqueue_dma source(%dma_start3A_41 : memref<632x128xf32, #tpu.memory_space<hbm>>) target(%dma_start3A_39 : memref<632x128xf32, #tpu.memory_space<vmem_shared>>) target_semaphore(%run_scoped3A : memref<!tpu.dma_semaphore, #tpu.memory_space<semaphore_mem>>)
      %dma_wait3A_42 = arith.constant 0 : i32
      %dma_wait3A_43 = tpu.memref_slice %arg15[%mul3A_4, %dma_wait3A_42] : memref<10112x128xf32, #tpu.memory_space<vmem_shared>> -> memref<632x128xf32, #tpu.memory_space<vmem_shared>>
      %dma_wait3A_44 = arith.constant 0 : i32
      %dma_wait3A_45 = tpu.memref_slice %arg5[%mul3A_2, %dma_wait3A_44] : memref<10112x128xf32, #tpu.memory_space<hbm>> -> memref<632x128xf32, #tpu.memory_space<hbm>>
      tpu.wait_dma2 semaphore(%run_scoped3A : memref<!tpu.dma_semaphore, #tpu.memory_space<semaphore_mem>>) src(%dma_wait3A_45 : memref<632x128xf32, #tpu.memory_space<hbm>>) dst(%dma_wait3A_43 : memref<632x128xf32, #tpu.memory_space<vmem_shared>>)
      tpu.yield
    }) : () -> ()
    %mul3A_5 = arith.constant 126 : i32
    %mul3A_6 = arith.muli %add3A, %mul3A_5 : i32
    %add3A_7 = arith.constant 0 : i32
    %add3A_8 = arith.addi %mul3A_6, %add3A_7 : i32
    %mul3A_9 = arith.constant 80 : i32
    %mul3A_10 = arith.muli %add3A_8, %mul3A_9 : i32
    "tpu.region"() ({
      %run_scoped3A = tpu.sem_alloc : memref<!tpu.dma_semaphore, #tpu.memory_space<semaphore_mem>>
      %dma_start3A_38 = tpu.memref_slice %arg3[%mul3A_10] : memref<322560xi32, #tpu.memory_space<hbm>> -> memref<80xi32, #tpu.memory_space<hbm>>
      %dma_start3A_39 = tpu.memref_slice %arg3[%mul3A_10] : memref<322560xi32, #tpu.memory_space<hbm>> -> memref<80xi32, #tpu.memory_space<hbm>>
      tpu.enqueue_dma source(%dma_start3A_39 : memref<80xi32, #tpu.memory_space<hbm>>) target(%arg7 : memref<80xi32, #tpu.memory_space<vmem>>) target_semaphore(%run_scoped3A : memref<!tpu.dma_semaphore, #tpu.memory_space<semaphore_mem>>)
      %dma_wait3A_40 = tpu.memref_slice %arg3[%mul3A_10] : memref<322560xi32, #tpu.memory_space<hbm>> -> memref<80xi32, #tpu.memory_space<hbm>>
      %dma_wait3A_41 = tpu.memref_slice %arg3[%mul3A_10] : memref<322560xi32, #tpu.memory_space<hbm>> -> memref<80xi32, #tpu.memory_space<hbm>>
      tpu.wait_dma2 semaphore(%run_scoped3A : memref<!tpu.dma_semaphore, #tpu.memory_space<semaphore_mem>>) src(%dma_wait3A_41 : memref<80xi32, #tpu.memory_space<hbm>>) dst(%arg7 : memref<80xi32, #tpu.memory_space<vmem>>)
      tpu.yield
    }) : () -> ()
    "tpu.region"() ({
      %run_scoped3A = tpu.sem_alloc : memref<!tpu.dma_semaphore, #tpu.memory_space<semaphore_mem>>
      %dma_start3A_38 = tpu.memref_slice %arg4[%mul3A_10] : memref<322560xi32, #tpu.memory_space<hbm>> -> memref<80xi32, #tpu.memory_space<hbm>>
      %dma_start3A_39 = tpu.memref_slice %arg4[%mul3A_10] : memref<322560xi32, #tpu.memory_space<hbm>> -> memref<80xi32, #tpu.memory_space<hbm>>
      tpu.enqueue_dma source(%dma_start3A_39 : memref<80xi32, #tpu.memory_space<hbm>>) target(%arg9 : memref<80xi32, #tpu.memory_space<vmem>>) target_semaphore(%run_scoped3A : memref<!tpu.dma_semaphore, #tpu.memory_space<semaphore_mem>>)
      %dma_wait3A_40 = tpu.memref_slice %arg4[%mul3A_10] : memref<322560xi32, #tpu.memory_space<hbm>> -> memref<80xi32, #tpu.memory_space<hbm>>
      %dma_wait3A_41 = tpu.memref_slice %arg4[%mul3A_10] : memref<322560xi32, #tpu.memory_space<hbm>> -> memref<80xi32, #tpu.memory_space<hbm>>
      tpu.wait_dma2 semaphore(%run_scoped3A : memref<!tpu.dma_semaphore, #tpu.memory_space<semaphore_mem>>) src(%dma_wait3A_41 : memref<80xi32, #tpu.memory_space<hbm>>) dst(%arg9 : memref<80xi32, #tpu.memory_space<vmem>>)
      tpu.yield
    }) : () -> ()
    %dma_start3A = arith.constant 0 : i32
    %dma_start3A_11 = arith.constant 0 : i32
    %dma_start3A_12 = tpu.memref_slice %arg2[%dma_start3A, %dma_start3A_11] : memref<10112x128xf32, #tpu.memory_space<hbm>> -> memref<10112x128xf32, #tpu.memory_space<hbm>>
    tpu.enqueue_indirect_dma source(%dma_start3A_12 : memref<10112x128xf32, #tpu.memory_space<hbm>>) target(%arg11 : memref<80x128xf32, #tpu.memory_space<vmem>>) offsets(%arg7 : memref<80xi32, #tpu.memory_space<vmem>>) semaphore(%arg13 : memref<!tpu.dma_semaphore, #tpu.memory_space<semaphore_mem>>)
    %barrier3A = arith.constant 0 : index
    tpu.barrier barrier_id(%barrier3A)
    %mul3A_13 = arith.constant 126 : i32
    %mul3A_14 = arith.muli %add3A, %mul3A_13 : i32
    %add3A_15 = arith.constant 1 : i32
    %add3A_16 = arith.addi %mul3A_14, %add3A_15 : i32
    %mul3A_17 = arith.constant 80 : i32
    %mul3A_18 = arith.muli %add3A_16, %mul3A_17 : i32
    "tpu.region"() ({
      %run_scoped3A = tpu.sem_alloc : memref<!tpu.dma_semaphore, #tpu.memory_space<semaphore_mem>>
      %dma_start3A_38 = tpu.memref_slice %arg3[%mul3A_18] : memref<322560xi32, #tpu.memory_space<hbm>> -> memref<80xi32, #tpu.memory_space<hbm>>
      %dma_start3A_39 = tpu.memref_slice %arg3[%mul3A_18] : memref<322560xi32, #tpu.memory_space<hbm>> -> memref<80xi32, #tpu.memory_space<hbm>>
      tpu.enqueue_dma source(%dma_start3A_39 : memref<80xi32, #tpu.memory_space<hbm>>) target(%arg8 : memref<80xi32, #tpu.memory_space<vmem>>) target_semaphore(%run_scoped3A : memref<!tpu.dma_semaphore, #tpu.memory_space<semaphore_mem>>)
      %dma_wait3A_40 = tpu.memref_slice %arg3[%mul3A_18] : memref<322560xi32, #tpu.memory_space<hbm>> -> memref<80xi32, #tpu.memory_space<hbm>>
      %dma_wait3A_41 = tpu.memref_slice %arg3[%mul3A_18] : memref<322560xi32, #tpu.memory_space<hbm>> -> memref<80xi32, #tpu.memory_space<hbm>>
      tpu.wait_dma2 semaphore(%run_scoped3A : memref<!tpu.dma_semaphore, #tpu.memory_space<semaphore_mem>>) src(%dma_wait3A_41 : memref<80xi32, #tpu.memory_space<hbm>>) dst(%arg8 : memref<80xi32, #tpu.memory_space<vmem>>)
      tpu.yield
    }) : () -> ()
    "tpu.region"() ({
      %run_scoped3A = tpu.sem_alloc : memref<!tpu.dma_semaphore, #tpu.memory_space<semaphore_mem>>
      %dma_start3A_38 = tpu.memref_slice %arg4[%mul3A_18] : memref<322560xi32, #tpu.memory_space<hbm>> -> memref<80xi32, #tpu.memory_space<hbm>>
      %dma_start3A_39 = tpu.memref_slice %arg4[%mul3A_18] : memref<322560xi32, #tpu.memory_space<hbm>> -> memref<80xi32, #tpu.memory_space<hbm>>
      tpu.enqueue_dma source(%dma_start3A_39 : memref<80xi32, #tpu.memory_space<hbm>>) target(%arg10 : memref<80xi32, #tpu.memory_space<vmem>>) target_semaphore(%run_scoped3A : memref<!tpu.dma_semaphore, #tpu.memory_space<semaphore_mem>>)
      %dma_wait3A_40 = tpu.memref_slice %arg4[%mul3A_18] : memref<322560xi32, #tpu.memory_space<hbm>> -> memref<80xi32, #tpu.memory_space<hbm>>
      %dma_wait3A_41 = tpu.memref_slice %arg4[%mul3A_18] : memref<322560xi32, #tpu.memory_space<hbm>> -> memref<80xi32, #tpu.memory_space<hbm>>
      tpu.wait_dma2 semaphore(%run_scoped3A : memref<!tpu.dma_semaphore, #tpu.memory_space<semaphore_mem>>) src(%dma_wait3A_41 : memref<80xi32, #tpu.memory_space<hbm>>) dst(%arg10 : memref<80xi32, #tpu.memory_space<vmem>>)
      tpu.yield
    }) : () -> ()
    %dma_start3A_19 = arith.constant 0 : i32
    %dma_start3A_20 = arith.constant 0 : i32
    %dma_start3A_21 = tpu.memref_slice %arg2[%dma_start3A_19, %dma_start3A_20] : memref<10112x128xf32, #tpu.memory_space<hbm>> -> memref<10112x128xf32, #tpu.memory_space<hbm>>
    tpu.enqueue_indirect_dma source(%dma_start3A_21 : memref<10112x128xf32, #tpu.memory_space<hbm>>) target(%arg12 : memref<80x128xf32, #tpu.memory_space<vmem>>) offsets(%arg8 : memref<80xi32, #tpu.memory_space<vmem>>) semaphore(%arg14 : memref<!tpu.dma_semaphore, #tpu.memory_space<semaphore_mem>>)
    %dma_wait3A = arith.constant 0 : i32
    %dma_wait3A_22 = arith.constant 0 : i32
    %dma_wait3A_23 = tpu.memref_slice %arg2[%dma_wait3A, %dma_wait3A_22] : memref<10112x128xf32, #tpu.memory_space<hbm>> -> memref<10112x128xf32, #tpu.memory_space<hbm>>
    tpu.wait_indirect_dma semaphore(%arg13 : memref<!tpu.dma_semaphore, #tpu.memory_space<semaphore_mem>>) src(%dma_wait3A_23 : memref<10112x128xf32, #tpu.memory_space<hbm>>) dst(%arg11 : memref<80x128xf32, #tpu.memory_space<vmem>>)
    "tpu.region"() ({
      %run_scoped3A = tpu.sem_alloc : memref<!tpu.dma_semaphore, #tpu.memory_space<semaphore_mem>>
      %dma_start3A_38 = arith.constant 0 : i32
      %dma_start3A_39 = arith.constant 0 : i32
      %dma_start3A_40 = tpu.memref_slice %arg15[%dma_start3A_38, %dma_start3A_39] : memref<10112x128xf32, #tpu.memory_space<vmem_shared>> -> memref<10112x128xf32, #tpu.memory_space<vmem_shared>>
      tpu.enqueue_indirect_dma source(%arg11 : memref<80x128xf32, #tpu.memory_space<vmem>>) target(%dma_start3A_40 : memref<10112x128xf32, #tpu.memory_space<vmem_shared>>) offsets(%arg9 : memref<80xi32, #tpu.memory_space<vmem>>) semaphore(%run_scoped3A : memref<!tpu.dma_semaphore, #tpu.memory_space<semaphore_mem>>) {add = true}
      %dma_wait3A_41 = arith.constant 0 : i32
      %dma_wait3A_42 = arith.constant 0 : i32
      %dma_wait3A_43 = tpu.memref_slice %arg15[%dma_wait3A_41, %dma_wait3A_42] : memref<10112x128xf32, #tpu.memory_space<vmem_shared>> -> memref<10112x128xf32, #tpu.memory_space<vmem_shared>>
      tpu.wait_indirect_dma semaphore(%run_scoped3A : memref<!tpu.dma_semaphore, #tpu.memory_space<semaphore_mem>>) src(%arg11 : memref<80x128xf32, #tpu.memory_space<vmem>>) dst(%dma_wait3A_43 : memref<10112x128xf32, #tpu.memory_space<vmem_shared>>)
      tpu.yield
    }) : () -> ()
    %scan3A = arith.constant 0 : i32
    %scan3A_24 = arith.constant 0 : i32
    %scan3A_25 = arith.constant 62 : i32
    %scan3A_26 = arith.addi %scan3A_24, %scan3A_25 : i32
    %scan3A_27 = arith.constant 1 : i32
    %scan3A_28 = scf.for %scan3A_38 = %scan3A_24 to %scan3A_26 step %scan3A_27 iter_args(%scan3A_39 = %scan3A) -> (i32)  : i32 {
      %mul3A_40 = arith.constant 2 : i32
      %mul3A_41 = arith.muli %mul3A_40, %scan3A_38 : i32
      %add3A_42 = arith.constant 1 : i32
      %add3A_43 = arith.addi %mul3A_41, %add3A_42 : i32
      %add3A_44 = arith.constant 1 : i32
      %add3A_45 = arith.addi %add3A_43, %add3A_44 : i32
      %mul3A_46 = arith.constant 126 : i32
      %mul3A_47 = arith.muli %add3A, %mul3A_46 : i32
      %add3A_48 = arith.addi %mul3A_47, %add3A_45 : i32
      %mul3A_49 = arith.constant 80 : i32
      %mul3A_50 = arith.muli %add3A_48, %mul3A_49 : i32
      "tpu.region"() ({
        %run_scoped3A = tpu.sem_alloc : memref<!tpu.dma_semaphore, #tpu.memory_space<semaphore_mem>>
        %dma_start3A_75 = tpu.memref_slice %arg3[%mul3A_50] : memref<322560xi32, #tpu.memory_space<hbm>> -> memref<80xi32, #tpu.memory_space<hbm>>
        %dma_start3A_76 = tpu.memref_slice %arg3[%mul3A_50] : memref<322560xi32, #tpu.memory_space<hbm>> -> memref<80xi32, #tpu.memory_space<hbm>>
        tpu.enqueue_dma source(%dma_start3A_76 : memref<80xi32, #tpu.memory_space<hbm>>) target(%arg7 : memref<80xi32, #tpu.memory_space<vmem>>) target_semaphore(%run_scoped3A : memref<!tpu.dma_semaphore, #tpu.memory_space<semaphore_mem>>)
        %dma_wait3A_77 = tpu.memref_slice %arg3[%mul3A_50] : memref<322560xi32, #tpu.memory_space<hbm>> -> memref<80xi32, #tpu.memory_space<hbm>>
        %dma_wait3A_78 = tpu.memref_slice %arg3[%mul3A_50] : memref<322560xi32, #tpu.memory_space<hbm>> -> memref<80xi32, #tpu.memory_space<hbm>>
        tpu.wait_dma2 semaphore(%run_scoped3A : memref<!tpu.dma_semaphore, #tpu.memory_space<semaphore_mem>>) src(%dma_wait3A_78 : memref<80xi32, #tpu.memory_space<hbm>>) dst(%arg7 : memref<80xi32, #tpu.memory_space<vmem>>)
        tpu.yield
      }) : () -> ()
      "tpu.region"() ({
        %run_scoped3A = tpu.sem_alloc : memref<!tpu.dma_semaphore, #tpu.memory_space<semaphore_mem>>
        %dma_start3A_75 = tpu.memref_slice %arg4[%mul3A_50] : memref<322560xi32, #tpu.memory_space<hbm>> -> memref<80xi32, #tpu.memory_space<hbm>>
        %dma_start3A_76 = tpu.memref_slice %arg4[%mul3A_50] : memref<322560xi32, #tpu.memory_space<hbm>> -> memref<80xi32, #tpu.memory_space<hbm>>
        tpu.enqueue_dma source(%dma_start3A_76 : memref<80xi32, #tpu.memory_space<hbm>>) target(%arg9 : memref<80xi32, #tpu.memory_space<vmem>>) target_semaphore(%run_scoped3A : memref<!tpu.dma_semaphore, #tpu.memory_space<semaphore_mem>>)
        %dma_wait3A_77 = tpu.memref_slice %arg4[%mul3A_50] : memref<322560xi32, #tpu.memory_space<hbm>> -> memref<80xi32, #tpu.memory_space<hbm>>
        %dma_wait3A_78 = tpu.memref_slice %arg4[%mul3A_50] : memref<322560xi32, #tpu.memory_space<hbm>> -> memref<80xi32, #tpu.memory_space<hbm>>
        tpu.wait_dma2 semaphore(%run_scoped3A : memref<!tpu.dma_semaphore, #tpu.memory_space<semaphore_mem>>) src(%dma_wait3A_78 : memref<80xi32, #tpu.memory_space<hbm>>) dst(%arg9 : memref<80xi32, #tpu.memory_space<vmem>>)
        tpu.yield
      }) : () -> ()
      %dma_start3A_51 = arith.constant 0 : i32
      %dma_start3A_52 = arith.constant 0 : i32
      %dma_start3A_53 = tpu.memref_slice %arg2[%dma_start3A_51, %dma_start3A_52] : memref<10112x128xf32, #tpu.memory_space<hbm>> -> memref<10112x128xf32, #tpu.memory_space<hbm>>
      tpu.enqueue_indirect_dma source(%dma_start3A_53 : memref<10112x128xf32, #tpu.memory_space<hbm>>) target(%arg11 : memref<80x128xf32, #tpu.memory_space<vmem>>) offsets(%arg7 : memref<80xi32, #tpu.memory_space<vmem>>) semaphore(%arg13 : memref<!tpu.dma_semaphore, #tpu.memory_space<semaphore_mem>>)
      %dma_wait3A_54 = arith.constant 0 : i32
      %dma_wait3A_55 = arith.constant 0 : i32
      %dma_wait3A_56 = tpu.memref_slice %arg2[%dma_wait3A_54, %dma_wait3A_55] : memref<10112x128xf32, #tpu.memory_space<hbm>> -> memref<10112x128xf32, #tpu.memory_space<hbm>>
      tpu.wait_indirect_dma semaphore(%arg14 : memref<!tpu.dma_semaphore, #tpu.memory_space<semaphore_mem>>) src(%dma_wait3A_56 : memref<10112x128xf32, #tpu.memory_space<hbm>>) dst(%arg12 : memref<80x128xf32, #tpu.memory_space<vmem>>)
      "tpu.region"() ({
        %run_scoped3A = tpu.sem_alloc : memref<!tpu.dma_semaphore, #tpu.memory_space<semaphore_mem>>
        %dma_start3A_75 = arith.constant 0 : i32
        %dma_start3A_76 = arith.constant 0 : i32
        %dma_start3A_77 = tpu.memref_slice %arg15[%dma_start3A_75, %dma_start3A_76] : memref<10112x128xf32, #tpu.memory_space<vmem_shared>> -> memref<10112x128xf32, #tpu.memory_space<vmem_shared>>
        tpu.enqueue_indirect_dma source(%arg12 : memref<80x128xf32, #tpu.memory_space<vmem>>) target(%dma_start3A_77 : memref<10112x128xf32, #tpu.memory_space<vmem_shared>>) offsets(%arg10 : memref<80xi32, #tpu.memory_space<vmem>>) semaphore(%run_scoped3A : memref<!tpu.dma_semaphore, #tpu.memory_space<semaphore_mem>>) {add = true}
        %dma_wait3A_78 = arith.constant 0 : i32
        %dma_wait3A_79 = arith.constant 0 : i32
        %dma_wait3A_80 = tpu.memref_slice %arg15[%dma_wait3A_78, %dma_wait3A_79] : memref<10112x128xf32, #tpu.memory_space<vmem_shared>> -> memref<10112x128xf32, #tpu.memory_space<vmem_shared>>
        tpu.wait_indirect_dma semaphore(%run_scoped3A : memref<!tpu.dma_semaphore, #tpu.memory_space<semaphore_mem>>) src(%arg12 : memref<80x128xf32, #tpu.memory_space<vmem>>) dst(%dma_wait3A_80 : memref<10112x128xf32, #tpu.memory_space<vmem_shared>>)
        tpu.yield
      }) : () -> ()
      %mul3A_57 = arith.constant 2 : i32
      %mul3A_58 = arith.muli %mul3A_57, %scan3A_38 : i32
      %add3A_59 = arith.constant 2 : i32
      %add3A_60 = arith.addi %mul3A_58, %add3A_59 : i32
      %add3A_61 = arith.constant 1 : i32
      %add3A_62 = arith.addi %add3A_60, %add3A_61 : i32
      %mul3A_63 = arith.constant 126 : i32
      %mul3A_64 = arith.muli %add3A, %mul3A_63 : i32
      %add3A_65 = arith.addi %mul3A_64, %add3A_62 : i32
      %mul3A_66 = arith.constant 80 : i32
      %mul3A_67 = arith.muli %add3A_65, %mul3A_66 : i32
      "tpu.region"() ({
        %run_scoped3A = tpu.sem_alloc : memref<!tpu.dma_semaphore, #tpu.memory_space<semaphore_mem>>
        %dma_start3A_75 = tpu.memref_slice %arg3[%mul3A_67] : memref<322560xi32, #tpu.memory_space<hbm>> -> memref<80xi32, #tpu.memory_space<hbm>>
        %dma_start3A_76 = tpu.memref_slice %arg3[%mul3A_67] : memref<322560xi32, #tpu.memory_space<hbm>> -> memref<80xi32, #tpu.memory_space<hbm>>
        tpu.enqueue_dma source(%dma_start3A_76 : memref<80xi32, #tpu.memory_space<hbm>>) target(%arg8 : memref<80xi32, #tpu.memory_space<vmem>>) target_semaphore(%run_scoped3A : memref<!tpu.dma_semaphore, #tpu.memory_space<semaphore_mem>>)
        %dma_wait3A_77 = tpu.memref_slice %arg3[%mul3A_67] : memref<322560xi32, #tpu.memory_space<hbm>> -> memref<80xi32, #tpu.memory_space<hbm>>
        %dma_wait3A_78 = tpu.memref_slice %arg3[%mul3A_67] : memref<322560xi32, #tpu.memory_space<hbm>> -> memref<80xi32, #tpu.memory_space<hbm>>
        tpu.wait_dma2 semaphore(%run_scoped3A : memref<!tpu.dma_semaphore, #tpu.memory_space<semaphore_mem>>) src(%dma_wait3A_78 : memref<80xi32, #tpu.memory_space<hbm>>) dst(%arg8 : memref<80xi32, #tpu.memory_space<vmem>>)
        tpu.yield
      }) : () -> ()
      "tpu.region"() ({
        %run_scoped3A = tpu.sem_alloc : memref<!tpu.dma_semaphore, #tpu.memory_space<semaphore_mem>>
        %dma_start3A_75 = tpu.memref_slice %arg4[%mul3A_67] : memref<322560xi32, #tpu.memory_space<hbm>> -> memref<80xi32, #tpu.memory_space<hbm>>
        %dma_start3A_76 = tpu.memref_slice %arg4[%mul3A_67] : memref<322560xi32, #tpu.memory_space<hbm>> -> memref<80xi32, #tpu.memory_space<hbm>>
        tpu.enqueue_dma source(%dma_start3A_76 : memref<80xi32, #tpu.memory_space<hbm>>) target(%arg10 : memref<80xi32, #tpu.memory_space<vmem>>) target_semaphore(%run_scoped3A : memref<!tpu.dma_semaphore, #tpu.memory_space<semaphore_mem>>)
        %dma_wait3A_77 = tpu.memref_slice %arg4[%mul3A_67] : memref<322560xi32, #tpu.memory_space<hbm>> -> memref<80xi32, #tpu.memory_space<hbm>>
        %dma_wait3A_78 = tpu.memref_slice %arg4[%mul3A_67] : memref<322560xi32, #tpu.memory_space<hbm>> -> memref<80xi32, #tpu.memory_space<hbm>>
        tpu.wait_dma2 semaphore(%run_scoped3A : memref<!tpu.dma_semaphore, #tpu.memory_space<semaphore_mem>>) src(%dma_wait3A_78 : memref<80xi32, #tpu.memory_space<hbm>>) dst(%arg10 : memref<80xi32, #tpu.memory_space<vmem>>)
        tpu.yield
      }) : () -> ()
      %dma_start3A_68 = arith.constant 0 : i32
      %dma_start3A_69 = arith.constant 0 : i32
      %dma_start3A_70 = tpu.memref_slice %arg2[%dma_start3A_68, %dma_start3A_69] : memref<10112x128xf32, #tpu.memory_space<hbm>> -> memref<10112x128xf32, #tpu.memory_space<hbm>>
      tpu.enqueue_indirect_dma source(%dma_start3A_70 : memref<10112x128xf32, #tpu.memory_space<hbm>>) target(%arg12 : memref<80x128xf32, #tpu.memory_space<vmem>>) offsets(%arg8 : memref<80xi32, #tpu.memory_space<vmem>>) semaphore(%arg14 : memref<!tpu.dma_semaphore, #tpu.memory_space<semaphore_mem>>)
      %dma_wait3A_71 = arith.constant 0 : i32
      %dma_wait3A_72 = arith.constant 0 : i32
      %dma_wait3A_73 = tpu.memref_slice %arg2[%dma_wait3A_71, %dma_wait3A_72] : memref<10112x128xf32, #tpu.memory_space<hbm>> -> memref<10112x128xf32, #tpu.memory_space<hbm>>
      tpu.wait_indirect_dma semaphore(%arg13 : memref<!tpu.dma_semaphore, #tpu.memory_space<semaphore_mem>>) src(%dma_wait3A_73 : memref<10112x128xf32, #tpu.memory_space<hbm>>) dst(%arg11 : memref<80x128xf32, #tpu.memory_space<vmem>>)
      "tpu.region"() ({
        %run_scoped3A = tpu.sem_alloc : memref<!tpu.dma_semaphore, #tpu.memory_space<semaphore_mem>>
        %dma_start3A_75 = arith.constant 0 : i32
        %dma_start3A_76 = arith.constant 0 : i32
        %dma_start3A_77 = tpu.memref_slice %arg15[%dma_start3A_75, %dma_start3A_76] : memref<10112x128xf32, #tpu.memory_space<vmem_shared>> -> memref<10112x128xf32, #tpu.memory_space<vmem_shared>>
        tpu.enqueue_indirect_dma source(%arg11 : memref<80x128xf32, #tpu.memory_space<vmem>>) target(%dma_start3A_77 : memref<10112x128xf32, #tpu.memory_space<vmem_shared>>) offsets(%arg9 : memref<80xi32, #tpu.memory_space<vmem>>) semaphore(%run_scoped3A : memref<!tpu.dma_semaphore, #tpu.memory_space<semaphore_mem>>) {add = true}
        %dma_wait3A_78 = arith.constant 0 : i32
        %dma_wait3A_79 = arith.constant 0 : i32
        %dma_wait3A_80 = tpu.memref_slice %arg15[%dma_wait3A_78, %dma_wait3A_79] : memref<10112x128xf32, #tpu.memory_space<vmem_shared>> -> memref<10112x128xf32, #tpu.memory_space<vmem_shared>>
        tpu.wait_indirect_dma semaphore(%run_scoped3A : memref<!tpu.dma_semaphore, #tpu.memory_space<semaphore_mem>>) src(%arg11 : memref<80x128xf32, #tpu.memory_space<vmem>>) dst(%dma_wait3A_80 : memref<10112x128xf32, #tpu.memory_space<vmem_shared>>)
        tpu.yield
      }) : () -> ()
      %scan3A_74 = arith.constant 0 : i32
      scf.yield %scan3A_74 : i32
    }
    %scan3A_29 = arith.constant 62 : i32
    %dma_wait3A_30 = arith.constant 0 : i32
    %dma_wait3A_31 = arith.constant 0 : i32
    %dma_wait3A_32 = tpu.memref_slice %arg2[%dma_wait3A_30, %dma_wait3A_31] : memref<10112x128xf32, #tpu.memory_space<hbm>> -> memref<10112x128xf32, #tpu.memory_space<hbm>>
    tpu.wait_indirect_dma semaphore(%arg14 : memref<!tpu.dma_semaphore, #tpu.memory_space<semaphore_mem>>) src(%dma_wait3A_32 : memref<10112x128xf32, #tpu.memory_space<hbm>>) dst(%arg12 : memref<80x128xf32, #tpu.memory_space<vmem>>)
    "tpu.region"() ({
      %run_scoped3A = tpu.sem_alloc : memref<!tpu.dma_semaphore, #tpu.memory_space<semaphore_mem>>
      %dma_start3A_38 = arith.constant 0 : i32
      %dma_start3A_39 = arith.constant 0 : i32
      %dma_start3A_40 = tpu.memref_slice %arg15[%dma_start3A_38, %dma_start3A_39] : memref<10112x128xf32, #tpu.memory_space<vmem_shared>> -> memref<10112x128xf32, #tpu.memory_space<vmem_shared>>
      tpu.enqueue_indirect_dma source(%arg12 : memref<80x128xf32, #tpu.memory_space<vmem>>) target(%dma_start3A_40 : memref<10112x128xf32, #tpu.memory_space<vmem_shared>>) offsets(%arg10 : memref<80xi32, #tpu.memory_space<vmem>>) semaphore(%run_scoped3A : memref<!tpu.dma_semaphore, #tpu.memory_space<semaphore_mem>>) {add = true}
      %dma_wait3A_41 = arith.constant 0 : i32
      %dma_wait3A_42 = arith.constant 0 : i32
      %dma_wait3A_43 = tpu.memref_slice %arg15[%dma_wait3A_41, %dma_wait3A_42] : memref<10112x128xf32, #tpu.memory_space<vmem_shared>> -> memref<10112x128xf32, #tpu.memory_space<vmem_shared>>
      tpu.wait_indirect_dma semaphore(%run_scoped3A : memref<!tpu.dma_semaphore, #tpu.memory_space<semaphore_mem>>) src(%arg12 : memref<80x128xf32, #tpu.memory_space<vmem>>) dst(%dma_wait3A_43 : memref<10112x128xf32, #tpu.memory_space<vmem_shared>>)
      tpu.yield
    }) : () -> ()
    %barrier3A_33 = arith.constant 0 : index
    tpu.barrier barrier_id(%barrier3A_33)
    %mul3A_34 = arith.constant 632 : i32
    %mul3A_35 = arith.muli %arg1, %mul3A_34 : i32
    %mul3A_36 = arith.constant 632 : i32
    %mul3A_37 = arith.muli %arg1, %mul3A_36 : i32
    "tpu.region"() ({
      %run_scoped3A = tpu.sem_alloc : memref<!tpu.dma_semaphore, #tpu.memory_space<semaphore_mem>>
      %dma_start3A_38 = arith.constant 0 : i32
      %dma_start3A_39 = tpu.memref_slice %arg6[%arg0, %mul3A_37, %dma_start3A_38] : memref<2x10112x128xf32, #tpu.memory_space<hbm>> -> memref<1x632x128xf32, #tpu.memory_space<hbm>>
      %dma_start3A_40 = tpu.memref_squeeze %dma_start3A_39 : memref<1x632x128xf32, #tpu.memory_space<hbm>> -> memref<632x128xf32, #tpu.memory_space<hbm>>
      %dma_start3A_41 = arith.constant 0 : i32
      %dma_start3A_42 = tpu.memref_slice %arg15[%mul3A_35, %dma_start3A_41] : memref<10112x128xf32, #tpu.memory_space<vmem_shared>> -> memref<632x128xf32, #tpu.memory_space<vmem_shared>>
      tpu.enqueue_dma source(%dma_start3A_42 : memref<632x128xf32, #tpu.memory_space<vmem_shared>>) target(%dma_start3A_40 : memref<632x128xf32, #tpu.memory_space<hbm>>) target_semaphore(%run_scoped3A : memref<!tpu.dma_semaphore, #tpu.memory_space<semaphore_mem>>)
      %dma_wait3A_43 = arith.constant 0 : i32
      %dma_wait3A_44 = tpu.memref_slice %arg6[%arg0, %mul3A_37, %dma_wait3A_43] : memref<2x10112x128xf32, #tpu.memory_space<hbm>> -> memref<1x632x128xf32, #tpu.memory_space<hbm>>
      %dma_wait3A_45 = tpu.memref_squeeze %dma_wait3A_44 : memref<1x632x128xf32, #tpu.memory_space<hbm>> -> memref<632x128xf32, #tpu.memory_space<hbm>>
      %dma_wait3A_46 = arith.constant 0 : i32
      %dma_wait3A_47 = tpu.memref_slice %arg15[%mul3A_35, %dma_wait3A_46] : memref<10112x128xf32, #tpu.memory_space<vmem_shared>> -> memref<632x128xf32, #tpu.memory_space<vmem_shared>>
      tpu.wait_dma2 semaphore(%run_scoped3A : memref<!tpu.dma_semaphore, #tpu.memory_space<semaphore_mem>>) src(%dma_wait3A_47 : memref<632x128xf32, #tpu.memory_space<vmem_shared>>) dst(%dma_wait3A_45 : memref<632x128xf32, #tpu.memory_space<hbm>>)
      tpu.yield
    }) : () -> ()
    return
  }
}

#map = affine_map<(d0, d1) -> (0, 0, 0)>
#map1 = affine_map<(d0, d1) -> (0, 0)>
module attributes {stable_mosaic.version = 14 : i64} {
  func.func @k(%arg0: i32, %arg1: i32, %arg2: memref<32x126x80xi32, #tpu.memory_space<hbm>>, %arg3: memref<10192x128xf32, #tpu.memory_space<hbm>>, %arg4: memref<2x10112x128xf32, #tpu.memory_space<hbm>>, %arg5: memref<126x80xi32, #tpu.memory_space<vmem>>, %arg6: memref<80x128xf32, #tpu.memory_space<vmem>>, %arg7: memref<!tpu.dma_semaphore, #tpu.memory_space<semaphore_mem>>, %arg8: memref<10112x128xf32, #tpu.memory_space<vmem_shared>>) attributes {dimension_semantics = [#tpu.dimension_semantics<core_parallel>, #tpu.dimension_semantics<subcore_parallel>], iteration_bounds = array<i64: 2, 16>, scalar_prefetch = 0 : i64, scratch_operands = 4 : i64, tpu.core_type = #tpu.core_type<sc_vector_subcore>, window_params = [{transform_indices = #map}, {transform_indices = #map1}, {transform_indices = #map}]} {
    %mul3A = arith.constant 16 : i32
    %mul3A_0 = arith.muli %arg0, %mul3A : i32
    %add3A = arith.addi %mul3A_0, %arg1 : i32
    "tpu.region"() ({
      %run_scoped3A = tpu.sem_alloc : memref<!tpu.dma_semaphore, #tpu.memory_space<semaphore_mem>>
      %dma_start3A = arith.constant 0 : i32
      %dma_start3A_23 = arith.constant 0 : i32
      %dma_start3A_24 = tpu.memref_slice %arg2[%add3A, %dma_start3A, %dma_start3A_23] : memref<32x126x80xi32, #tpu.memory_space<hbm>> -> memref<1x126x80xi32, #tpu.memory_space<hbm>>
      %dma_start3A_25 = tpu.memref_squeeze %dma_start3A_24 : memref<1x126x80xi32, #tpu.memory_space<hbm>> -> memref<126x80xi32, #tpu.memory_space<hbm>>
      %dma_start3A_26 = arith.constant 0 : i32
      %dma_start3A_27 = arith.constant 0 : i32
      %dma_start3A_28 = tpu.memref_slice %arg2[%add3A, %dma_start3A_26, %dma_start3A_27] : memref<32x126x80xi32, #tpu.memory_space<hbm>> -> memref<1x126x80xi32, #tpu.memory_space<hbm>>
      %dma_start3A_29 = tpu.memref_squeeze %dma_start3A_28 : memref<1x126x80xi32, #tpu.memory_space<hbm>> -> memref<126x80xi32, #tpu.memory_space<hbm>>
      tpu.enqueue_dma source(%dma_start3A_29 : memref<126x80xi32, #tpu.memory_space<hbm>>) target(%arg5 : memref<126x80xi32, #tpu.memory_space<vmem>>) target_semaphore(%run_scoped3A : memref<!tpu.dma_semaphore, #tpu.memory_space<semaphore_mem>>)
      %dma_wait3A = arith.constant 0 : i32
      %dma_wait3A_30 = arith.constant 0 : i32
      %dma_wait3A_31 = tpu.memref_slice %arg2[%add3A, %dma_wait3A, %dma_wait3A_30] : memref<32x126x80xi32, #tpu.memory_space<hbm>> -> memref<1x126x80xi32, #tpu.memory_space<hbm>>
      %dma_wait3A_32 = tpu.memref_squeeze %dma_wait3A_31 : memref<1x126x80xi32, #tpu.memory_space<hbm>> -> memref<126x80xi32, #tpu.memory_space<hbm>>
      %dma_wait3A_33 = arith.constant 0 : i32
      %dma_wait3A_34 = arith.constant 0 : i32
      %dma_wait3A_35 = tpu.memref_slice %arg2[%add3A, %dma_wait3A_33, %dma_wait3A_34] : memref<32x126x80xi32, #tpu.memory_space<hbm>> -> memref<1x126x80xi32, #tpu.memory_space<hbm>>
      %dma_wait3A_36 = tpu.memref_squeeze %dma_wait3A_35 : memref<1x126x80xi32, #tpu.memory_space<hbm>> -> memref<126x80xi32, #tpu.memory_space<hbm>>
      tpu.wait_dma2 semaphore(%run_scoped3A : memref<!tpu.dma_semaphore, #tpu.memory_space<semaphore_mem>>) src(%dma_wait3A_36 : memref<126x80xi32, #tpu.memory_space<hbm>>) dst(%arg5 : memref<126x80xi32, #tpu.memory_space<vmem>>)
      tpu.yield
    }) : () -> ()
    %mul3A_1 = arith.constant 632 : i32
    %mul3A_2 = arith.muli %arg1, %mul3A_1 : i32
    %mul3A_3 = arith.constant 632 : i32
    %mul3A_4 = arith.muli %arg1, %mul3A_3 : i32
    "tpu.region"() ({
      %run_scoped3A = tpu.sem_alloc : memref<!tpu.dma_semaphore, #tpu.memory_space<semaphore_mem>>
      %dma_start3A = arith.constant 0 : i32
      %dma_start3A_23 = tpu.memref_slice %arg8[%mul3A_4, %dma_start3A] : memref<10112x128xf32, #tpu.memory_space<vmem_shared>> -> memref<632x128xf32, #tpu.memory_space<vmem_shared>>
      %dma_start3A_24 = arith.constant 0 : i32
      %dma_start3A_25 = tpu.memref_slice %arg3[%mul3A_2, %dma_start3A_24] : memref<10192x128xf32, #tpu.memory_space<hbm>> -> memref<632x128xf32, #tpu.memory_space<hbm>>
      tpu.enqueue_dma source(%dma_start3A_25 : memref<632x128xf32, #tpu.memory_space<hbm>>) target(%dma_start3A_23 : memref<632x128xf32, #tpu.memory_space<vmem_shared>>) target_semaphore(%run_scoped3A : memref<!tpu.dma_semaphore, #tpu.memory_space<semaphore_mem>>)
      %dma_wait3A = arith.constant 0 : i32
      %dma_wait3A_26 = tpu.memref_slice %arg8[%mul3A_4, %dma_wait3A] : memref<10112x128xf32, #tpu.memory_space<vmem_shared>> -> memref<632x128xf32, #tpu.memory_space<vmem_shared>>
      %dma_wait3A_27 = arith.constant 0 : i32
      %dma_wait3A_28 = tpu.memref_slice %arg3[%mul3A_2, %dma_wait3A_27] : memref<10192x128xf32, #tpu.memory_space<hbm>> -> memref<632x128xf32, #tpu.memory_space<hbm>>
      tpu.wait_dma2 semaphore(%run_scoped3A : memref<!tpu.dma_semaphore, #tpu.memory_space<semaphore_mem>>) src(%dma_wait3A_28 : memref<632x128xf32, #tpu.memory_space<hbm>>) dst(%dma_wait3A_26 : memref<632x128xf32, #tpu.memory_space<vmem_shared>>)
      tpu.yield
    }) : () -> ()
    "tpu.region"() ({
      %run_scoped3A = tpu.sem_alloc : memref<!tpu.dma_semaphore, #tpu.memory_space<semaphore_mem>>
      %dma_start3A = arith.constant 10112 : i32
      %dma_start3A_23 = arith.constant 0 : i32
      %dma_start3A_24 = tpu.memref_slice %arg3[%dma_start3A, %dma_start3A_23] : memref<10192x128xf32, #tpu.memory_space<hbm>> -> memref<80x128xf32, #tpu.memory_space<hbm>>
      %dma_start3A_25 = arith.constant 10112 : i32
      %dma_start3A_26 = arith.constant 0 : i32
      %dma_start3A_27 = tpu.memref_slice %arg3[%dma_start3A_25, %dma_start3A_26] : memref<10192x128xf32, #tpu.memory_space<hbm>> -> memref<80x128xf32, #tpu.memory_space<hbm>>
      tpu.enqueue_dma source(%dma_start3A_27 : memref<80x128xf32, #tpu.memory_space<hbm>>) target(%arg6 : memref<80x128xf32, #tpu.memory_space<vmem>>) target_semaphore(%run_scoped3A : memref<!tpu.dma_semaphore, #tpu.memory_space<semaphore_mem>>)
      %dma_wait3A = arith.constant 10112 : i32
      %dma_wait3A_28 = arith.constant 0 : i32
      %dma_wait3A_29 = tpu.memref_slice %arg3[%dma_wait3A, %dma_wait3A_28] : memref<10192x128xf32, #tpu.memory_space<hbm>> -> memref<80x128xf32, #tpu.memory_space<hbm>>
      %dma_wait3A_30 = arith.constant 10112 : i32
      %dma_wait3A_31 = arith.constant 0 : i32
      %dma_wait3A_32 = tpu.memref_slice %arg3[%dma_wait3A_30, %dma_wait3A_31] : memref<10192x128xf32, #tpu.memory_space<hbm>> -> memref<80x128xf32, #tpu.memory_space<hbm>>
      tpu.wait_dma2 semaphore(%run_scoped3A : memref<!tpu.dma_semaphore, #tpu.memory_space<semaphore_mem>>) src(%dma_wait3A_32 : memref<80x128xf32, #tpu.memory_space<hbm>>) dst(%arg6 : memref<80x128xf32, #tpu.memory_space<vmem>>)
      tpu.yield
    }) : () -> ()
    %barrier3A = arith.constant 0 : index
    tpu.barrier barrier_id(%barrier3A)
    %scan3A = arith.constant 0 : i32
    %scan3A_5 = arith.constant 0 : i32
    %scan3A_6 = arith.constant 126 : i32
    %scan3A_7 = arith.addi %scan3A_5, %scan3A_6 : i32
    %scan3A_8 = arith.constant 1 : i32
    %scan3A_9 = scf.for %scan3A_23 = %scan3A_5 to %scan3A_7 step %scan3A_8 iter_args(%scan3A_24 = %scan3A) -> (i32)  : i32 {
      %dma_start3A = arith.constant 0 : i32
      %dma_start3A_25 = tpu.memref_slice %arg5[%scan3A_23, %dma_start3A] : memref<126x80xi32, #tpu.memory_space<vmem>> -> memref<1x80xi32, #tpu.memory_space<vmem>>
      %dma_start3A_26 = tpu.memref_squeeze %dma_start3A_25 : memref<1x80xi32, #tpu.memory_space<vmem>> -> memref<80xi32, #tpu.memory_space<vmem>>
      %dma_start3A_27 = arith.constant 0 : i32
      %dma_start3A_28 = arith.constant 0 : i32
      %dma_start3A_29 = tpu.memref_slice %arg8[%dma_start3A_27, %dma_start3A_28] : memref<10112x128xf32, #tpu.memory_space<vmem_shared>> -> memref<10112x128xf32, #tpu.memory_space<vmem_shared>>
      tpu.enqueue_indirect_dma source(%arg6 : memref<80x128xf32, #tpu.memory_space<vmem>>) target(%dma_start3A_29 : memref<10112x128xf32, #tpu.memory_space<vmem_shared>>) offsets(%dma_start3A_26 : memref<80xi32, #tpu.memory_space<vmem>>) semaphore(%arg7 : memref<!tpu.dma_semaphore, #tpu.memory_space<semaphore_mem>>) {add = true}
      %scan3A_30 = arith.constant 0 : i32
      scf.yield %scan3A_30 : i32
    }
    %scan3A_10 = arith.constant 126 : i32
    %scan3A_11 = arith.constant 0 : i32
    %scan3A_12 = arith.constant 0 : i32
    %scan3A_13 = arith.constant 126 : i32
    %scan3A_14 = arith.addi %scan3A_12, %scan3A_13 : i32
    %scan3A_15 = arith.constant 1 : i32
    %scan3A_16 = scf.for %scan3A_23 = %scan3A_12 to %scan3A_14 step %scan3A_15 iter_args(%scan3A_24 = %scan3A_11) -> (i32)  : i32 {
      %dma_wait3A = arith.constant 0 : i32
      %dma_wait3A_25 = arith.constant 0 : i32
      %dma_wait3A_26 = tpu.memref_slice %arg5[%dma_wait3A, %dma_wait3A_25] : memref<126x80xi32, #tpu.memory_space<vmem>> -> memref<1x80xi32, #tpu.memory_space<vmem>>
      %dma_wait3A_27 = tpu.memref_squeeze %dma_wait3A_26 : memref<1x80xi32, #tpu.memory_space<vmem>> -> memref<80xi32, #tpu.memory_space<vmem>>
      %dma_wait3A_28 = arith.constant 0 : i32
      %dma_wait3A_29 = arith.constant 0 : i32
      %dma_wait3A_30 = tpu.memref_slice %arg8[%dma_wait3A_28, %dma_wait3A_29] : memref<10112x128xf32, #tpu.memory_space<vmem_shared>> -> memref<10112x128xf32, #tpu.memory_space<vmem_shared>>
      tpu.wait_indirect_dma semaphore(%arg7 : memref<!tpu.dma_semaphore, #tpu.memory_space<semaphore_mem>>) src(%arg6 : memref<80x128xf32, #tpu.memory_space<vmem>>) dst(%dma_wait3A_30 : memref<10112x128xf32, #tpu.memory_space<vmem_shared>>)
      %scan3A_31 = arith.constant 0 : i32
      scf.yield %scan3A_31 : i32
    }
    %scan3A_17 = arith.constant 126 : i32
    %barrier3A_18 = arith.constant 0 : index
    tpu.barrier barrier_id(%barrier3A_18)
    %mul3A_19 = arith.constant 632 : i32
    %mul3A_20 = arith.muli %arg1, %mul3A_19 : i32
    %mul3A_21 = arith.constant 632 : i32
    %mul3A_22 = arith.muli %arg1, %mul3A_21 : i32
    "tpu.region"() ({
      %run_scoped3A = tpu.sem_alloc : memref<!tpu.dma_semaphore, #tpu.memory_space<semaphore_mem>>
      %dma_start3A = arith.constant 0 : i32
      %dma_start3A_23 = tpu.memref_slice %arg4[%arg0, %mul3A_22, %dma_start3A] : memref<2x10112x128xf32, #tpu.memory_space<hbm>> -> memref<1x632x128xf32, #tpu.memory_space<hbm>>
      %dma_start3A_24 = tpu.memref_squeeze %dma_start3A_23 : memref<1x632x128xf32, #tpu.memory_space<hbm>> -> memref<632x128xf32, #tpu.memory_space<hbm>>
      %dma_start3A_25 = arith.constant 0 : i32
      %dma_start3A_26 = tpu.memref_slice %arg8[%mul3A_20, %dma_start3A_25] : memref<10112x128xf32, #tpu.memory_space<vmem_shared>> -> memref<632x128xf32, #tpu.memory_space<vmem_shared>>
      tpu.enqueue_dma source(%dma_start3A_26 : memref<632x128xf32, #tpu.memory_space<vmem_shared>>) target(%dma_start3A_24 : memref<632x128xf32, #tpu.memory_space<hbm>>) target_semaphore(%run_scoped3A : memref<!tpu.dma_semaphore, #tpu.memory_space<semaphore_mem>>)
      %dma_wait3A = arith.constant 0 : i32
      %dma_wait3A_27 = tpu.memref_slice %arg4[%arg0, %mul3A_22, %dma_wait3A] : memref<2x10112x128xf32, #tpu.memory_space<hbm>> -> memref<1x632x128xf32, #tpu.memory_space<hbm>>
      %dma_wait3A_28 = tpu.memref_squeeze %dma_wait3A_27 : memref<1x632x128xf32, #tpu.memory_space<hbm>> -> memref<632x128xf32, #tpu.memory_space<hbm>>
      %dma_wait3A_29 = arith.constant 0 : i32
      %dma_wait3A_30 = tpu.memref_slice %arg8[%mul3A_20, %dma_wait3A_29] : memref<10112x128xf32, #tpu.memory_space<vmem_shared>> -> memref<632x128xf32, #tpu.memory_space<vmem_shared>>
      tpu.wait_dma2 semaphore(%run_scoped3A : memref<!tpu.dma_semaphore, #tpu.memory_space<semaphore_mem>>) src(%dma_wait3A_30 : memref<632x128xf32, #tpu.memory_space<vmem_shared>>) dst(%dma_wait3A_28 : memref<632x128xf32, #tpu.memory_space<hbm>>)
      tpu.yield
    }) : () -> ()
    return
  }
}

#map = affine_map<(d0, d1) -> (0, 0)>
#map1 = affine_map<(d0, d1) -> (0)>
#map2 = affine_map<(d0, d1) -> (0, 0, 0)>
module attributes {stable_mosaic.version = 14 : i64} {
  func.func @k(%arg0: i32, %arg1: i32, %arg2: memref<10112x128xf32, #tpu.memory_space<hbm>>, %arg3: memref<322560xi32, #tpu.memory_space<hbm>>, %arg4: memref<322560xi32, #tpu.memory_space<hbm>>, %arg5: memref<10112x128xf32, #tpu.memory_space<hbm>>, %arg6: memref<2x10112x128xf32, #tpu.memory_space<hbm>>, %arg7: memref<80xi32, #tpu.memory_space<vmem>>, %arg8: memref<80xi32, #tpu.memory_space<vmem>>, %arg9: memref<80xi32, #tpu.memory_space<vmem>>, %arg10: memref<80xi32, #tpu.memory_space<vmem>>, %arg11: memref<80x128xf32, #tpu.memory_space<vmem>>, %arg12: memref<80x128xf32, #tpu.memory_space<vmem>>, %arg13: memref<!tpu.dma_semaphore, #tpu.memory_space<semaphore_mem>>, %arg14: memref<!tpu.dma_semaphore, #tpu.memory_space<semaphore_mem>>, %arg15: memref<10112x128xf32, #tpu.memory_space<vmem_shared>>) attributes {dimension_semantics = [#tpu.dimension_semantics<core_parallel>, #tpu.dimension_semantics<subcore_parallel>], iteration_bounds = array<i64: 2, 16>, scalar_prefetch = 0 : i64, scratch_operands = 9 : i64, tpu.core_type = #tpu.core_type<sc_vector_subcore>, window_params = [{transform_indices = #map}, {transform_indices = #map1}, {transform_indices = #map1}, {transform_indices = #map}, {transform_indices = #map2}]} {
    %mul3A = arith.constant 16 : i32
    %mul3A_0 = arith.muli %arg0, %mul3A : i32
    %add3A = arith.addi %mul3A_0, %arg1 : i32
    %mul3A_1 = arith.constant 632 : i32
    %mul3A_2 = arith.muli %arg1, %mul3A_1 : i32
    %mul3A_3 = arith.constant 632 : i32
    %mul3A_4 = arith.muli %arg1, %mul3A_3 : i32
    "tpu.region"() ({
      %run_scoped3A = tpu.sem_alloc : memref<!tpu.dma_semaphore, #tpu.memory_space<semaphore_mem>>
      %dma_start3A_38 = arith.constant 0 : i32
      %dma_start3A_39 = tpu.memref_slice %arg15[%mul3A_4, %dma_start3A_38] : memref<10112x128xf32, #tpu.memory_space<vmem_shared>> -> memref<632x128xf32, #tpu.memory_space<vmem_shared>>
      %dma_start3A_40 = arith.constant 0 : i32
      %dma_start3A_41 = tpu.memref_slice %arg5[%mul3A_2, %dma_start3A_40] : memref<10112x128xf32, #tpu.memory_space<hbm>> -> memref<632x128xf32, #tpu.memory_space<hbm>>
      tpu.enqueue_dma source(%dma_start3A_41 : memref<632x128xf32, #tpu.memory_space<hbm>>) target(%dma_start3A_39 : memref<632x128xf32, #tpu.memory_space<vmem_shared>>) target_semaphore(%run_scoped3A : memref<!tpu.dma_semaphore, #tpu.memory_space<semaphore_mem>>)
      %dma_wait3A_42 = arith.constant 0 : i32
      %dma_wait3A_43 = tpu.memref_slice %arg15[%mul3A_4, %dma_wait3A_42] : memref<10112x128xf32, #tpu.memory_space<vmem_shared>> -> memref<632x128xf32, #tpu.memory_space<vmem_shared>>
      %dma_wait3A_44 = arith.constant 0 : i32
      %dma_wait3A_45 = tpu.memref_slice %arg5[%mul3A_2, %dma_wait3A_44] : memref<10112x128xf32, #tpu.memory_space<hbm>> -> memref<632x128xf32, #tpu.memory_space<hbm>>
      tpu.wait_dma2 semaphore(%run_scoped3A : memref<!tpu.dma_semaphore, #tpu.memory_space<semaphore_mem>>) src(%dma_wait3A_45 : memref<632x128xf32, #tpu.memory_space<hbm>>) dst(%dma_wait3A_43 : memref<632x128xf32, #tpu.memory_space<vmem_shared>>)
      tpu.yield
    }) : () -> ()
    %mul3A_5 = arith.constant 126 : i32
    %mul3A_6 = arith.muli %add3A, %mul3A_5 : i32
    %add3A_7 = arith.constant 0 : i32
    %add3A_8 = arith.addi %mul3A_6, %add3A_7 : i32
    %mul3A_9 = arith.constant 80 : i32
    %mul3A_10 = arith.muli %add3A_8, %mul3A_9 : i32
    "tpu.region"() ({
      %run_scoped3A = tpu.sem_alloc : memref<!tpu.dma_semaphore, #tpu.memory_space<semaphore_mem>>
      %dma_start3A_38 = tpu.memref_slice %arg3[%mul3A_10] : memref<322560xi32, #tpu.memory_space<hbm>> -> memref<80xi32, #tpu.memory_space<hbm>>
      %dma_start3A_39 = tpu.memref_slice %arg3[%mul3A_10] : memref<322560xi32, #tpu.memory_space<hbm>> -> memref<80xi32, #tpu.memory_space<hbm>>
      tpu.enqueue_dma source(%dma_start3A_39 : memref<80xi32, #tpu.memory_space<hbm>>) target(%arg7 : memref<80xi32, #tpu.memory_space<vmem>>) target_semaphore(%run_scoped3A : memref<!tpu.dma_semaphore, #tpu.memory_space<semaphore_mem>>)
      %dma_wait3A_40 = tpu.memref_slice %arg3[%mul3A_10] : memref<322560xi32, #tpu.memory_space<hbm>> -> memref<80xi32, #tpu.memory_space<hbm>>
      %dma_wait3A_41 = tpu.memref_slice %arg3[%mul3A_10] : memref<322560xi32, #tpu.memory_space<hbm>> -> memref<80xi32, #tpu.memory_space<hbm>>
      tpu.wait_dma2 semaphore(%run_scoped3A : memref<!tpu.dma_semaphore, #tpu.memory_space<semaphore_mem>>) src(%dma_wait3A_41 : memref<80xi32, #tpu.memory_space<hbm>>) dst(%arg7 : memref<80xi32, #tpu.memory_space<vmem>>)
      tpu.yield
    }) : () -> ()
    "tpu.region"() ({
      %run_scoped3A = tpu.sem_alloc : memref<!tpu.dma_semaphore, #tpu.memory_space<semaphore_mem>>
      %dma_start3A_38 = tpu.memref_slice %arg4[%mul3A_10] : memref<322560xi32, #tpu.memory_space<hbm>> -> memref<80xi32, #tpu.memory_space<hbm>>
      %dma_start3A_39 = tpu.memref_slice %arg4[%mul3A_10] : memref<322560xi32, #tpu.memory_space<hbm>> -> memref<80xi32, #tpu.memory_space<hbm>>
      tpu.enqueue_dma source(%dma_start3A_39 : memref<80xi32, #tpu.memory_space<hbm>>) target(%arg9 : memref<80xi32, #tpu.memory_space<vmem>>) target_semaphore(%run_scoped3A : memref<!tpu.dma_semaphore, #tpu.memory_space<semaphore_mem>>)
      %dma_wait3A_40 = tpu.memref_slice %arg4[%mul3A_10] : memref<322560xi32, #tpu.memory_space<hbm>> -> memref<80xi32, #tpu.memory_space<hbm>>
      %dma_wait3A_41 = tpu.memref_slice %arg4[%mul3A_10] : memref<322560xi32, #tpu.memory_space<hbm>> -> memref<80xi32, #tpu.memory_space<hbm>>
      tpu.wait_dma2 semaphore(%run_scoped3A : memref<!tpu.dma_semaphore, #tpu.memory_space<semaphore_mem>>) src(%dma_wait3A_41 : memref<80xi32, #tpu.memory_space<hbm>>) dst(%arg9 : memref<80xi32, #tpu.memory_space<vmem>>)
      tpu.yield
    }) : () -> ()
    %dma_start3A = arith.constant 0 : i32
    %dma_start3A_11 = arith.constant 0 : i32
    %dma_start3A_12 = tpu.memref_slice %arg2[%dma_start3A, %dma_start3A_11] : memref<10112x128xf32, #tpu.memory_space<hbm>> -> memref<10112x128xf32, #tpu.memory_space<hbm>>
    tpu.enqueue_indirect_dma source(%dma_start3A_12 : memref<10112x128xf32, #tpu.memory_space<hbm>>) target(%arg11 : memref<80x128xf32, #tpu.memory_space<vmem>>) offsets(%arg7 : memref<80xi32, #tpu.memory_space<vmem>>) semaphore(%arg13 : memref<!tpu.dma_semaphore, #tpu.memory_space<semaphore_mem>>)
    %barrier3A = arith.constant 0 : index
    tpu.barrier barrier_id(%barrier3A)
    %mul3A_13 = arith.constant 126 : i32
    %mul3A_14 = arith.muli %add3A, %mul3A_13 : i32
    %add3A_15 = arith.constant 1 : i32
    %add3A_16 = arith.addi %mul3A_14, %add3A_15 : i32
    %mul3A_17 = arith.constant 80 : i32
    %mul3A_18 = arith.muli %add3A_16, %mul3A_17 : i32
    "tpu.region"() ({
      %run_scoped3A = tpu.sem_alloc : memref<!tpu.dma_semaphore, #tpu.memory_space<semaphore_mem>>
      %dma_start3A_38 = tpu.memref_slice %arg3[%mul3A_18] : memref<322560xi32, #tpu.memory_space<hbm>> -> memref<80xi32, #tpu.memory_space<hbm>>
      %dma_start3A_39 = tpu.memref_slice %arg3[%mul3A_18] : memref<322560xi32, #tpu.memory_space<hbm>> -> memref<80xi32, #tpu.memory_space<hbm>>
      tpu.enqueue_dma source(%dma_start3A_39 : memref<80xi32, #tpu.memory_space<hbm>>) target(%arg8 : memref<80xi32, #tpu.memory_space<vmem>>) target_semaphore(%run_scoped3A : memref<!tpu.dma_semaphore, #tpu.memory_space<semaphore_mem>>)
      %dma_wait3A_40 = tpu.memref_slice %arg3[%mul3A_18] : memref<322560xi32, #tpu.memory_space<hbm>> -> memref<80xi32, #tpu.memory_space<hbm>>
      %dma_wait3A_41 = tpu.memref_slice %arg3[%mul3A_18] : memref<322560xi32, #tpu.memory_space<hbm>> -> memref<80xi32, #tpu.memory_space<hbm>>
      tpu.wait_dma2 semaphore(%run_scoped3A : memref<!tpu.dma_semaphore, #tpu.memory_space<semaphore_mem>>) src(%dma_wait3A_41 : memref<80xi32, #tpu.memory_space<hbm>>) dst(%arg8 : memref<80xi32, #tpu.memory_space<vmem>>)
      tpu.yield
    }) : () -> ()
    "tpu.region"() ({
      %run_scoped3A = tpu.sem_alloc : memref<!tpu.dma_semaphore, #tpu.memory_space<semaphore_mem>>
      %dma_start3A_38 = tpu.memref_slice %arg4[%mul3A_18] : memref<322560xi32, #tpu.memory_space<hbm>> -> memref<80xi32, #tpu.memory_space<hbm>>
      %dma_start3A_39 = tpu.memref_slice %arg4[%mul3A_18] : memref<322560xi32, #tpu.memory_space<hbm>> -> memref<80xi32, #tpu.memory_space<hbm>>
      tpu.enqueue_dma source(%dma_start3A_39 : memref<80xi32, #tpu.memory_space<hbm>>) target(%arg10 : memref<80xi32, #tpu.memory_space<vmem>>) target_semaphore(%run_scoped3A : memref<!tpu.dma_semaphore, #tpu.memory_space<semaphore_mem>>)
      %dma_wait3A_40 = tpu.memref_slice %arg4[%mul3A_18] : memref<322560xi32, #tpu.memory_space<hbm>> -> memref<80xi32, #tpu.memory_space<hbm>>
      %dma_wait3A_41 = tpu.memref_slice %arg4[%mul3A_18] : memref<322560xi32, #tpu.memory_space<hbm>> -> memref<80xi32, #tpu.memory_space<hbm>>
      tpu.wait_dma2 semaphore(%run_scoped3A : memref<!tpu.dma_semaphore, #tpu.memory_space<semaphore_mem>>) src(%dma_wait3A_41 : memref<80xi32, #tpu.memory_space<hbm>>) dst(%arg10 : memref<80xi32, #tpu.memory_space<vmem>>)
      tpu.yield
    }) : () -> ()
    %dma_start3A_19 = arith.constant 0 : i32
    %dma_start3A_20 = arith.constant 0 : i32
    %dma_start3A_21 = tpu.memref_slice %arg2[%dma_start3A_19, %dma_start3A_20] : memref<10112x128xf32, #tpu.memory_space<hbm>> -> memref<10112x128xf32, #tpu.memory_space<hbm>>
    tpu.enqueue_indirect_dma source(%dma_start3A_21 : memref<10112x128xf32, #tpu.memory_space<hbm>>) target(%arg12 : memref<80x128xf32, #tpu.memory_space<vmem>>) offsets(%arg8 : memref<80xi32, #tpu.memory_space<vmem>>) semaphore(%arg14 : memref<!tpu.dma_semaphore, #tpu.memory_space<semaphore_mem>>)
    %dma_wait3A = arith.constant 0 : i32
    %dma_wait3A_22 = arith.constant 0 : i32
    %dma_wait3A_23 = tpu.memref_slice %arg2[%dma_wait3A, %dma_wait3A_22] : memref<10112x128xf32, #tpu.memory_space<hbm>> -> memref<10112x128xf32, #tpu.memory_space<hbm>>
    tpu.wait_indirect_dma semaphore(%arg13 : memref<!tpu.dma_semaphore, #tpu.memory_space<semaphore_mem>>) src(%dma_wait3A_23 : memref<10112x128xf32, #tpu.memory_space<hbm>>) dst(%arg11 : memref<80x128xf32, #tpu.memory_space<vmem>>)
    "tpu.region"() ({
      %run_scoped3A = tpu.sem_alloc : memref<!tpu.dma_semaphore, #tpu.memory_space<semaphore_mem>>
      %dma_start3A_38 = arith.constant 0 : i32
      %dma_start3A_39 = arith.constant 0 : i32
      %dma_start3A_40 = tpu.memref_slice %arg15[%dma_start3A_38, %dma_start3A_39] : memref<10112x128xf32, #tpu.memory_space<vmem_shared>> -> memref<10112x128xf32, #tpu.memory_space<vmem_shared>>
      tpu.enqueue_indirect_dma source(%arg11 : memref<80x128xf32, #tpu.memory_space<vmem>>) target(%dma_start3A_40 : memref<10112x128xf32, #tpu.memory_space<vmem_shared>>) offsets(%arg9 : memref<80xi32, #tpu.memory_space<vmem>>) semaphore(%run_scoped3A : memref<!tpu.dma_semaphore, #tpu.memory_space<semaphore_mem>>) {add = true}
      %dma_wait3A_41 = arith.constant 0 : i32
      %dma_wait3A_42 = arith.constant 0 : i32
      %dma_wait3A_43 = tpu.memref_slice %arg15[%dma_wait3A_41, %dma_wait3A_42] : memref<10112x128xf32, #tpu.memory_space<vmem_shared>> -> memref<10112x128xf32, #tpu.memory_space<vmem_shared>>
      tpu.wait_indirect_dma semaphore(%run_scoped3A : memref<!tpu.dma_semaphore, #tpu.memory_space<semaphore_mem>>) src(%arg11 : memref<80x128xf32, #tpu.memory_space<vmem>>) dst(%dma_wait3A_43 : memref<10112x128xf32, #tpu.memory_space<vmem_shared>>)
      tpu.yield
    }) : () -> ()
    %scan3A = arith.constant 0 : i32
    %scan3A_24 = arith.constant 0 : i32
    %scan3A_25 = arith.constant 62 : i32
    %scan3A_26 = arith.addi %scan3A_24, %scan3A_25 : i32
    %scan3A_27 = arith.constant 1 : i32
    %scan3A_28 = scf.for %scan3A_38 = %scan3A_24 to %scan3A_26 step %scan3A_27 iter_args(%scan3A_39 = %scan3A) -> (i32)  : i32 {
      %mul3A_40 = arith.constant 2 : i32
      %mul3A_41 = arith.muli %mul3A_40, %scan3A_38 : i32
      %add3A_42 = arith.constant 1 : i32
      %add3A_43 = arith.addi %mul3A_41, %add3A_42 : i32
      %add3A_44 = arith.constant 1 : i32
      %add3A_45 = arith.addi %add3A_43, %add3A_44 : i32
      %mul3A_46 = arith.constant 126 : i32
      %mul3A_47 = arith.muli %add3A, %mul3A_46 : i32
      %add3A_48 = arith.addi %mul3A_47, %add3A_45 : i32
      %mul3A_49 = arith.constant 80 : i32
      %mul3A_50 = arith.muli %add3A_48, %mul3A_49 : i32
      "tpu.region"() ({
        %run_scoped3A = tpu.sem_alloc : memref<!tpu.dma_semaphore, #tpu.memory_space<semaphore_mem>>
        %dma_start3A_75 = tpu.memref_slice %arg3[%mul3A_50] : memref<322560xi32, #tpu.memory_space<hbm>> -> memref<80xi32, #tpu.memory_space<hbm>>
        %dma_start3A_76 = tpu.memref_slice %arg3[%mul3A_50] : memref<322560xi32, #tpu.memory_space<hbm>> -> memref<80xi32, #tpu.memory_space<hbm>>
        tpu.enqueue_dma source(%dma_start3A_76 : memref<80xi32, #tpu.memory_space<hbm>>) target(%arg7 : memref<80xi32, #tpu.memory_space<vmem>>) target_semaphore(%run_scoped3A : memref<!tpu.dma_semaphore, #tpu.memory_space<semaphore_mem>>)
        %dma_wait3A_77 = tpu.memref_slice %arg3[%mul3A_50] : memref<322560xi32, #tpu.memory_space<hbm>> -> memref<80xi32, #tpu.memory_space<hbm>>
        %dma_wait3A_78 = tpu.memref_slice %arg3[%mul3A_50] : memref<322560xi32, #tpu.memory_space<hbm>> -> memref<80xi32, #tpu.memory_space<hbm>>
        tpu.wait_dma2 semaphore(%run_scoped3A : memref<!tpu.dma_semaphore, #tpu.memory_space<semaphore_mem>>) src(%dma_wait3A_78 : memref<80xi32, #tpu.memory_space<hbm>>) dst(%arg7 : memref<80xi32, #tpu.memory_space<vmem>>)
        tpu.yield
      }) : () -> ()
      "tpu.region"() ({
        %run_scoped3A = tpu.sem_alloc : memref<!tpu.dma_semaphore, #tpu.memory_space<semaphore_mem>>
        %dma_start3A_75 = tpu.memref_slice %arg4[%mul3A_50] : memref<322560xi32, #tpu.memory_space<hbm>> -> memref<80xi32, #tpu.memory_space<hbm>>
        %dma_start3A_76 = tpu.memref_slice %arg4[%mul3A_50] : memref<322560xi32, #tpu.memory_space<hbm>> -> memref<80xi32, #tpu.memory_space<hbm>>
        tpu.enqueue_dma source(%dma_start3A_76 : memref<80xi32, #tpu.memory_space<hbm>>) target(%arg9 : memref<80xi32, #tpu.memory_space<vmem>>) target_semaphore(%run_scoped3A : memref<!tpu.dma_semaphore, #tpu.memory_space<semaphore_mem>>)
        %dma_wait3A_77 = tpu.memref_slice %arg4[%mul3A_50] : memref<322560xi32, #tpu.memory_space<hbm>> -> memref<80xi32, #tpu.memory_space<hbm>>
        %dma_wait3A_78 = tpu.memref_slice %arg4[%mul3A_50] : memref<322560xi32, #tpu.memory_space<hbm>> -> memref<80xi32, #tpu.memory_space<hbm>>
        tpu.wait_dma2 semaphore(%run_scoped3A : memref<!tpu.dma_semaphore, #tpu.memory_space<semaphore_mem>>) src(%dma_wait3A_78 : memref<80xi32, #tpu.memory_space<hbm>>) dst(%arg9 : memref<80xi32, #tpu.memory_space<vmem>>)
        tpu.yield
      }) : () -> ()
      %dma_start3A_51 = arith.constant 0 : i32
      %dma_start3A_52 = arith.constant 0 : i32
      %dma_start3A_53 = tpu.memref_slice %arg2[%dma_start3A_51, %dma_start3A_52] : memref<10112x128xf32, #tpu.memory_space<hbm>> -> memref<10112x128xf32, #tpu.memory_space<hbm>>
      tpu.enqueue_indirect_dma source(%dma_start3A_53 : memref<10112x128xf32, #tpu.memory_space<hbm>>) target(%arg11 : memref<80x128xf32, #tpu.memory_space<vmem>>) offsets(%arg7 : memref<80xi32, #tpu.memory_space<vmem>>) semaphore(%arg13 : memref<!tpu.dma_semaphore, #tpu.memory_space<semaphore_mem>>)
      %dma_wait3A_54 = arith.constant 0 : i32
      %dma_wait3A_55 = arith.constant 0 : i32
      %dma_wait3A_56 = tpu.memref_slice %arg2[%dma_wait3A_54, %dma_wait3A_55] : memref<10112x128xf32, #tpu.memory_space<hbm>> -> memref<10112x128xf32, #tpu.memory_space<hbm>>
      tpu.wait_indirect_dma semaphore(%arg14 : memref<!tpu.dma_semaphore, #tpu.memory_space<semaphore_mem>>) src(%dma_wait3A_56 : memref<10112x128xf32, #tpu.memory_space<hbm>>) dst(%arg12 : memref<80x128xf32, #tpu.memory_space<vmem>>)
      "tpu.region"() ({
        %run_scoped3A = tpu.sem_alloc : memref<!tpu.dma_semaphore, #tpu.memory_space<semaphore_mem>>
        %dma_start3A_75 = arith.constant 0 : i32
        %dma_start3A_76 = arith.constant 0 : i32
        %dma_start3A_77 = tpu.memref_slice %arg15[%dma_start3A_75, %dma_start3A_76] : memref<10112x128xf32, #tpu.memory_space<vmem_shared>> -> memref<10112x128xf32, #tpu.memory_space<vmem_shared>>
        tpu.enqueue_indirect_dma source(%arg12 : memref<80x128xf32, #tpu.memory_space<vmem>>) target(%dma_start3A_77 : memref<10112x128xf32, #tpu.memory_space<vmem_shared>>) offsets(%arg10 : memref<80xi32, #tpu.memory_space<vmem>>) semaphore(%run_scoped3A : memref<!tpu.dma_semaphore, #tpu.memory_space<semaphore_mem>>) {add = true}
        %dma_wait3A_78 = arith.constant 0 : i32
        %dma_wait3A_79 = arith.constant 0 : i32
        %dma_wait3A_80 = tpu.memref_slice %arg15[%dma_wait3A_78, %dma_wait3A_79] : memref<10112x128xf32, #tpu.memory_space<vmem_shared>> -> memref<10112x128xf32, #tpu.memory_space<vmem_shared>>
        tpu.wait_indirect_dma semaphore(%run_scoped3A : memref<!tpu.dma_semaphore, #tpu.memory_space<semaphore_mem>>) src(%arg12 : memref<80x128xf32, #tpu.memory_space<vmem>>) dst(%dma_wait3A_80 : memref<10112x128xf32, #tpu.memory_space<vmem_shared>>)
        tpu.yield
      }) : () -> ()
      %mul3A_57 = arith.constant 2 : i32
      %mul3A_58 = arith.muli %mul3A_57, %scan3A_38 : i32
      %add3A_59 = arith.constant 2 : i32
      %add3A_60 = arith.addi %mul3A_58, %add3A_59 : i32
      %add3A_61 = arith.constant 1 : i32
      %add3A_62 = arith.addi %add3A_60, %add3A_61 : i32
      %mul3A_63 = arith.constant 126 : i32
      %mul3A_64 = arith.muli %add3A, %mul3A_63 : i32
      %add3A_65 = arith.addi %mul3A_64, %add3A_62 : i32
      %mul3A_66 = arith.constant 80 : i32
      %mul3A_67 = arith.muli %add3A_65, %mul3A_66 : i32
      "tpu.region"() ({
        %run_scoped3A = tpu.sem_alloc : memref<!tpu.dma_semaphore, #tpu.memory_space<semaphore_mem>>
        %dma_start3A_75 = tpu.memref_slice %arg3[%mul3A_67] : memref<322560xi32, #tpu.memory_space<hbm>> -> memref<80xi32, #tpu.memory_space<hbm>>
        %dma_start3A_76 = tpu.memref_slice %arg3[%mul3A_67] : memref<322560xi32, #tpu.memory_space<hbm>> -> memref<80xi32, #tpu.memory_space<hbm>>
        tpu.enqueue_dma source(%dma_start3A_76 : memref<80xi32, #tpu.memory_space<hbm>>) target(%arg8 : memref<80xi32, #tpu.memory_space<vmem>>) target_semaphore(%run_scoped3A : memref<!tpu.dma_semaphore, #tpu.memory_space<semaphore_mem>>)
        %dma_wait3A_77 = tpu.memref_slice %arg3[%mul3A_67] : memref<322560xi32, #tpu.memory_space<hbm>> -> memref<80xi32, #tpu.memory_space<hbm>>
        %dma_wait3A_78 = tpu.memref_slice %arg3[%mul3A_67] : memref<322560xi32, #tpu.memory_space<hbm>> -> memref<80xi32, #tpu.memory_space<hbm>>
        tpu.wait_dma2 semaphore(%run_scoped3A : memref<!tpu.dma_semaphore, #tpu.memory_space<semaphore_mem>>) src(%dma_wait3A_78 : memref<80xi32, #tpu.memory_space<hbm>>) dst(%arg8 : memref<80xi32, #tpu.memory_space<vmem>>)
        tpu.yield
      }) : () -> ()
      "tpu.region"() ({
        %run_scoped3A = tpu.sem_alloc : memref<!tpu.dma_semaphore, #tpu.memory_space<semaphore_mem>>
        %dma_start3A_75 = tpu.memref_slice %arg4[%mul3A_67] : memref<322560xi32, #tpu.memory_space<hbm>> -> memref<80xi32, #tpu.memory_space<hbm>>
        %dma_start3A_76 = tpu.memref_slice %arg4[%mul3A_67] : memref<322560xi32, #tpu.memory_space<hbm>> -> memref<80xi32, #tpu.memory_space<hbm>>
        tpu.enqueue_dma source(%dma_start3A_76 : memref<80xi32, #tpu.memory_space<hbm>>) target(%arg10 : memref<80xi32, #tpu.memory_space<vmem>>) target_semaphore(%run_scoped3A : memref<!tpu.dma_semaphore, #tpu.memory_space<semaphore_mem>>)
        %dma_wait3A_77 = tpu.memref_slice %arg4[%mul3A_67] : memref<322560xi32, #tpu.memory_space<hbm>> -> memref<80xi32, #tpu.memory_space<hbm>>
        %dma_wait3A_78 = tpu.memref_slice %arg4[%mul3A_67] : memref<322560xi32, #tpu.memory_space<hbm>> -> memref<80xi32, #tpu.memory_space<hbm>>
        tpu.wait_dma2 semaphore(%run_scoped3A : memref<!tpu.dma_semaphore, #tpu.memory_space<semaphore_mem>>) src(%dma_wait3A_78 : memref<80xi32, #tpu.memory_space<hbm>>) dst(%arg10 : memref<80xi32, #tpu.memory_space<vmem>>)
        tpu.yield
      }) : () -> ()
      %dma_start3A_68 = arith.constant 0 : i32
      %dma_start3A_69 = arith.constant 0 : i32
      %dma_start3A_70 = tpu.memref_slice %arg2[%dma_start3A_68, %dma_start3A_69] : memref<10112x128xf32, #tpu.memory_space<hbm>> -> memref<10112x128xf32, #tpu.memory_space<hbm>>
      tpu.enqueue_indirect_dma source(%dma_start3A_70 : memref<10112x128xf32, #tpu.memory_space<hbm>>) target(%arg12 : memref<80x128xf32, #tpu.memory_space<vmem>>) offsets(%arg8 : memref<80xi32, #tpu.memory_space<vmem>>) semaphore(%arg14 : memref<!tpu.dma_semaphore, #tpu.memory_space<semaphore_mem>>)
      %dma_wait3A_71 = arith.constant 0 : i32
      %dma_wait3A_72 = arith.constant 0 : i32
      %dma_wait3A_73 = tpu.memref_slice %arg2[%dma_wait3A_71, %dma_wait3A_72] : memref<10112x128xf32, #tpu.memory_space<hbm>> -> memref<10112x128xf32, #tpu.memory_space<hbm>>
      tpu.wait_indirect_dma semaphore(%arg13 : memref<!tpu.dma_semaphore, #tpu.memory_space<semaphore_mem>>) src(%dma_wait3A_73 : memref<10112x128xf32, #tpu.memory_space<hbm>>) dst(%arg11 : memref<80x128xf32, #tpu.memory_space<vmem>>)
      "tpu.region"() ({
        %run_scoped3A = tpu.sem_alloc : memref<!tpu.dma_semaphore, #tpu.memory_space<semaphore_mem>>
        %dma_start3A_75 = arith.constant 0 : i32
        %dma_start3A_76 = arith.constant 0 : i32
        %dma_start3A_77 = tpu.memref_slice %arg15[%dma_start3A_75, %dma_start3A_76] : memref<10112x128xf32, #tpu.memory_space<vmem_shared>> -> memref<10112x128xf32, #tpu.memory_space<vmem_shared>>
        tpu.enqueue_indirect_dma source(%arg11 : memref<80x128xf32, #tpu.memory_space<vmem>>) target(%dma_start3A_77 : memref<10112x128xf32, #tpu.memory_space<vmem_shared>>) offsets(%arg9 : memref<80xi32, #tpu.memory_space<vmem>>) semaphore(%run_scoped3A : memref<!tpu.dma_semaphore, #tpu.memory_space<semaphore_mem>>) {add = true}
        %dma_wait3A_78 = arith.constant 0 : i32
        %dma_wait3A_79 = arith.constant 0 : i32
        %dma_wait3A_80 = tpu.memref_slice %arg15[%dma_wait3A_78, %dma_wait3A_79] : memref<10112x128xf32, #tpu.memory_space<vmem_shared>> -> memref<10112x128xf32, #tpu.memory_space<vmem_shared>>
        tpu.wait_indirect_dma semaphore(%run_scoped3A : memref<!tpu.dma_semaphore, #tpu.memory_space<semaphore_mem>>) src(%arg11 : memref<80x128xf32, #tpu.memory_space<vmem>>) dst(%dma_wait3A_80 : memref<10112x128xf32, #tpu.memory_space<vmem_shared>>)
        tpu.yield
      }) : () -> ()
      %scan3A_74 = arith.constant 0 : i32
      scf.yield %scan3A_74 : i32
    }
    %scan3A_29 = arith.constant 62 : i32
    %dma_wait3A_30 = arith.constant 0 : i32
    %dma_wait3A_31 = arith.constant 0 : i32
    %dma_wait3A_32 = tpu.memref_slice %arg2[%dma_wait3A_30, %dma_wait3A_31] : memref<10112x128xf32, #tpu.memory_space<hbm>> -> memref<10112x128xf32, #tpu.memory_space<hbm>>
    tpu.wait_indirect_dma semaphore(%arg14 : memref<!tpu.dma_semaphore, #tpu.memory_space<semaphore_mem>>) src(%dma_wait3A_32 : memref<10112x128xf32, #tpu.memory_space<hbm>>) dst(%arg12 : memref<80x128xf32, #tpu.memory_space<vmem>>)
    "tpu.region"() ({
      %run_scoped3A = tpu.sem_alloc : memref<!tpu.dma_semaphore, #tpu.memory_space<semaphore_mem>>
      %dma_start3A_38 = arith.constant 0 : i32
      %dma_start3A_39 = arith.constant 0 : i32
      %dma_start3A_40 = tpu.memref_slice %arg15[%dma_start3A_38, %dma_start3A_39] : memref<10112x128xf32, #tpu.memory_space<vmem_shared>> -> memref<10112x128xf32, #tpu.memory_space<vmem_shared>>
      tpu.enqueue_indirect_dma source(%arg12 : memref<80x128xf32, #tpu.memory_space<vmem>>) target(%dma_start3A_40 : memref<10112x128xf32, #tpu.memory_space<vmem_shared>>) offsets(%arg10 : memref<80xi32, #tpu.memory_space<vmem>>) semaphore(%run_scoped3A : memref<!tpu.dma_semaphore, #tpu.memory_space<semaphore_mem>>) {add = true}
      %dma_wait3A_41 = arith.constant 0 : i32
      %dma_wait3A_42 = arith.constant 0 : i32
      %dma_wait3A_43 = tpu.memref_slice %arg15[%dma_wait3A_41, %dma_wait3A_42] : memref<10112x128xf32, #tpu.memory_space<vmem_shared>> -> memref<10112x128xf32, #tpu.memory_space<vmem_shared>>
      tpu.wait_indirect_dma semaphore(%run_scoped3A : memref<!tpu.dma_semaphore, #tpu.memory_space<semaphore_mem>>) src(%arg12 : memref<80x128xf32, #tpu.memory_space<vmem>>) dst(%dma_wait3A_43 : memref<10112x128xf32, #tpu.memory_space<vmem_shared>>)
      tpu.yield
    }) : () -> ()
    %barrier3A_33 = arith.constant 0 : index
    tpu.barrier barrier_id(%barrier3A_33)
    %mul3A_34 = arith.constant 632 : i32
    %mul3A_35 = arith.muli %arg1, %mul3A_34 : i32
    %mul3A_36 = arith.constant 632 : i32
    %mul3A_37 = arith.muli %arg1, %mul3A_36 : i32
    "tpu.region"() ({
      %run_scoped3A = tpu.sem_alloc : memref<!tpu.dma_semaphore, #tpu.memory_space<semaphore_mem>>
      %dma_start3A_38 = arith.constant 0 : i32
      %dma_start3A_39 = tpu.memref_slice %arg6[%arg0, %mul3A_37, %dma_start3A_38] : memref<2x10112x128xf32, #tpu.memory_space<hbm>> -> memref<1x632x128xf32, #tpu.memory_space<hbm>>
      %dma_start3A_40 = tpu.memref_squeeze %dma_start3A_39 : memref<1x632x128xf32, #tpu.memory_space<hbm>> -> memref<632x128xf32, #tpu.memory_space<hbm>>
      %dma_start3A_41 = arith.constant 0 : i32
      %dma_start3A_42 = tpu.memref_slice %arg15[%mul3A_35, %dma_start3A_41] : memref<10112x128xf32, #tpu.memory_space<vmem_shared>> -> memref<632x128xf32, #tpu.memory_space<vmem_shared>>
      tpu.enqueue_dma source(%dma_start3A_42 : memref<632x128xf32, #tpu.memory_space<vmem_shared>>) target(%dma_start3A_40 : memref<632x128xf32, #tpu.memory_space<hbm>>) target_semaphore(%run_scoped3A : memref<!tpu.dma_semaphore, #tpu.memory_space<semaphore_mem>>)
      %dma_wait3A_43 = arith.constant 0 : i32
      %dma_wait3A_44 = tpu.memref_slice %arg6[%arg0, %mul3A_37, %dma_wait3A_43] : memref<2x10112x128xf32, #tpu.memory_space<hbm>> -> memref<1x632x128xf32, #tpu.memory_space<hbm>>
      %dma_wait3A_45 = tpu.memref_squeeze %dma_wait3A_44 : memref<1x632x128xf32, #tpu.memory_space<hbm>> -> memref<632x128xf32, #tpu.memory_space<hbm>>
      %dma_wait3A_46 = arith.constant 0 : i32
      %dma_wait3A_47 = tpu.memref_slice %arg15[%mul3A_35, %dma_wait3A_46] : memref<10112x128xf32, #tpu.memory_space<vmem_shared>> -> memref<632x128xf32, #tpu.memory_space<vmem_shared>>
      tpu.wait_dma2 semaphore(%run_scoped3A : memref<!tpu.dma_semaphore, #tpu.memory_space<semaphore_mem>>) src(%dma_wait3A_47 : memref<632x128xf32, #tpu.memory_space<vmem_shared>>) dst(%dma_wait3A_45 : memref<632x128xf32, #tpu.memory_space<hbm>>)
      tpu.yield
    }) : () -> ()
    return
  }
}

module attributes {stable_mosaic.version = 14 : i64} {
  func.func @_tc_bn0_body(%arg0: memref<10000x128xf32, #tpu.memory_space<vmem>>, %arg1: memref<1x128xf32, #tpu.memory_space<vmem>>, %arg2: memref<1x128xf32, #tpu.memory_space<vmem>>, %arg3: memref<10000x128xf32, #tpu.memory_space<vmem>>) attributes {dimension_semantics = [], scalar_prefetch = 0 : i64, scratch_operands = 0 : i64, tpu.core_type = #tpu.core_type<tc>} {
    %get3A = arith.constant 0 : index
    %get3A_0 = arith.constant 0 : index
    %get3A_1 = vector.load %arg0[%get3A, %get3A_0] : memref<10000x128xf32, #tpu.memory_space<vmem>>, vector<10000x128xf32>
    %reduce_sum3A = arith.constant dense<0.000000e+00> : vector<128xf32>
    %reduce_sum3A_2 = vector.multi_reduction <add>, %get3A_1, %reduce_sum3A [0] : vector<10000x128xf32> to vector<128xf32>
    %broadcast_in_dim3A = vector.shape_cast %reduce_sum3A_2 : vector<128xf32> to vector<1x128xf32>
    %div3A = arith.constant 1.000000e+04 : f32
    %div3A_3 = vector.broadcast %div3A : f32 to vector<1x128xf32>
    %div3A_4 = arith.divf %broadcast_in_dim3A, %div3A_3 : vector<1x128xf32>
    %sub3A = vector.broadcast %div3A_4 : vector<1x128xf32> to vector<10000x128xf32>
    %sub3A_5 = arith.subf %get3A_1, %sub3A : vector<10000x128xf32>
    %integer_pow3A = arith.mulf %sub3A_5, %sub3A_5 : vector<10000x128xf32>
    %reduce_sum3A_6 = arith.constant dense<0.000000e+00> : vector<128xf32>
    %reduce_sum3A_7 = vector.multi_reduction <add>, %integer_pow3A, %reduce_sum3A_6 [0] : vector<10000x128xf32> to vector<128xf32>
    %broadcast_in_dim3A_8 = vector.shape_cast %reduce_sum3A_7 : vector<128xf32> to vector<1x128xf32>
    %div3A_9 = arith.constant 1.000000e+04 : f32
    %div3A_10 = vector.broadcast %div3A_9 : f32 to vector<1x128xf32>
    %div3A_11 = arith.divf %broadcast_in_dim3A_8, %div3A_10 : vector<1x128xf32>
    %sub3A_12 = vector.broadcast %div3A_4 : vector<1x128xf32> to vector<10000x128xf32>
    %sub3A_13 = arith.subf %get3A_1, %sub3A_12 : vector<10000x128xf32>
    %add3A = arith.constant 9.99999974E-6 : f32
    %add3A_14 = vector.broadcast %add3A : f32 to vector<1x128xf32>
    %add3A_15 = arith.addf %div3A_11, %add3A_14 : vector<1x128xf32>
    %rsqrt3A = math.rsqrt %add3A_15 : vector<1x128xf32>
    %mul3A = vector.broadcast %rsqrt3A : vector<1x128xf32> to vector<10000x128xf32>
    %mul3A_16 = arith.mulf %sub3A_13, %mul3A : vector<10000x128xf32>
    %get3A_17 = arith.constant 0 : index
    %get3A_18 = arith.constant 0 : index
    %get3A_19 = vector.load %arg1[%get3A_17, %get3A_18] : memref<1x128xf32, #tpu.memory_space<vmem>>, vector<1x128xf32>
    %mul3A_20 = vector.broadcast %get3A_19 : vector<1x128xf32> to vector<10000x128xf32>
    %mul3A_21 = arith.mulf %mul3A_16, %mul3A_20 : vector<10000x128xf32>
    %get3A_22 = arith.constant 0 : index
    %get3A_23 = arith.constant 0 : index
    %get3A_24 = vector.load %arg2[%get3A_22, %get3A_23] : memref<1x128xf32, #tpu.memory_space<vmem>>, vector<1x128xf32>
    %add3A_25 = vector.broadcast %get3A_24 : vector<1x128xf32> to vector<10000x128xf32>
    %add3A_26 = arith.addf %mul3A_21, %add3A_25 : vector<10000x128xf32>
    %swap3A = arith.constant 0 : index
    %swap3A_27 = arith.constant 0 : index
    %swap3A_28 = vector.load %arg3[%swap3A, %swap3A_27] : memref<10000x128xf32, #tpu.memory_space<vmem>>, vector<10000x128xf32>
    tpu.vector_store %arg3[%swap3A, %swap3A_27], %add3A_26 {strides = array<i32>} : memref<10000x128xf32, #tpu.memory_space<vmem>>, vector<10000x128xf32>,
    return
  }
}

module attributes {stable_mosaic.version = 14 : i64} {
  func.func @_tc_scale_body(%arg0: memref<10000x128xf32, #tpu.memory_space<vmem>>, %arg1: memref<2x10112x128xf32, #tpu.memory_space<vmem>>, %arg2: memref<10112x128xf32, #tpu.memory_space<vmem>>, %arg3: memref<10000x8xf32, #tpu.memory_space<vmem>>) attributes {dimension_semantics = [], scalar_prefetch = 0 : i64, scratch_operands = 0 : i64, tpu.core_type = #tpu.core_type<tc>} {
    %get3A = arith.constant 0 : index
    %get3A_0 = arith.constant 0 : index
    %get3A_1 = arith.constant 0 : index
    %get3A_2 = vector.load %arg1[%get3A, %get3A_0, %get3A_1] : memref<2x10112x128xf32, #tpu.memory_space<vmem>>, vector<1x10000x1xf32>
    %get3A_3 = vector.shape_cast %get3A_2 : vector<1x10000x1xf32> to vector<10000x1xf32>
    %get3A_4 = arith.constant 1 : index
    %get3A_5 = arith.constant 0 : index
    %get3A_6 = arith.constant 0 : index
    %get3A_7 = vector.load %arg1[%get3A_4, %get3A_5, %get3A_6] : memref<2x10112x128xf32, #tpu.memory_space<vmem>>, vector<1x10000x1xf32>
    %get3A_8 = vector.shape_cast %get3A_7 : vector<1x10000x1xf32> to vector<10000x1xf32>
    %add3A = arith.addf %get3A_3, %get3A_8 : vector<10000x1xf32>
    %add3A_9 = arith.constant 1.000000e+00 : f32
    %add3A_10 = vector.broadcast %add3A_9 : f32 to vector<10000x1xf32>
    %add3A_11 = arith.addf %add3A, %add3A_10 : vector<10000x1xf32>
    %rsqrt3A = math.rsqrt %add3A_11 : vector<10000x1xf32>
    %get3A_12 = arith.constant 0 : index
    %get3A_13 = arith.constant 0 : index
    %get3A_14 = vector.load %arg0[%get3A_12, %get3A_13] : memref<10000x128xf32, #tpu.memory_space<vmem>>, vector<10000x128xf32>
    %mul3A = vector.broadcast %rsqrt3A : vector<10000x1xf32> to vector<10000x128xf32>
    %mul3A_15 = arith.mulf %get3A_14, %mul3A : vector<10000x128xf32>
    %broadcast_in_dim3A = arith.constant 0.000000e+00 : f32
    %broadcast_in_dim3A_16 = vector.broadcast %broadcast_in_dim3A : f32 to vector<112x128xf32>
    %concatenate3A = tpu.concatenate %mul3A_15, %broadcast_in_dim3A_16 in 0 : vector<10000x128xf32>, vector<112x128xf32> -> vector<10112x128xf32>
    %swap3A = arith.constant 0 : index
    %swap3A_17 = arith.constant 0 : index
    %swap3A_18 = vector.load %arg2[%swap3A, %swap3A_17] : memref<10112x128xf32, #tpu.memory_space<vmem>>, vector<10112x128xf32>
    tpu.vector_store %arg2[%swap3A, %swap3A_17], %concatenate3A {strides = array<i32>} : memref<10112x128xf32, #tpu.memory_space<vmem>>, vector<10112x128xf32>,
    %broadcast_in_dim3A_19 = vector.shape_cast %rsqrt3A : vector<10000x1xf32> to vector<10000x1xf32>
    %broadcast_in_dim3A_20 = vector.broadcast %broadcast_in_dim3A_19 : vector<10000x1xf32> to vector<10000x8xf32>
    %swap3A_21 = arith.constant 0 : index
    %swap3A_22 = arith.constant 0 : index
    %swap3A_23 = vector.load %arg3[%swap3A_21, %swap3A_22] : memref<10000x8xf32, #tpu.memory_space<vmem>>, vector<10000x8xf32>
    tpu.vector_store %arg3[%swap3A_21, %swap3A_22], %broadcast_in_dim3A_20 {strides = array<i32>} : memref<10000x8xf32, #tpu.memory_space<vmem>>, vector<10000x8xf32>,
    return
  }
}

module attributes {stable_mosaic.version = 14 : i64} {
  func.func @_tc_mid_body(%arg0: memref<2x10112x128xf32, #tpu.memory_space<vmem>>, %arg1: memref<10112x128xf32, #tpu.memory_space<vmem>>, %arg2: memref<10000x8xf32, #tpu.memory_space<vmem>>, %arg3: memref<128x256xf32, #tpu.memory_space<vmem>>, %arg4: memref<1x256xf32, #tpu.memory_space<vmem>>, %arg5: memref<1x256xf32, #tpu.memory_space<vmem>>, %arg6: memref<1x256xf32, #tpu.memory_space<vmem>>, %arg7: memref<256x64xf32, #tpu.memory_space<vmem>>, %arg8: memref<256x64xf32, #tpu.memory_space<vmem>>, %arg9: memref<1x64xf32, #tpu.memory_space<vmem>>, %arg10: memref<10112x128xf32, #tpu.memory_space<vmem>>, %arg11: memref<10000x64xf32, #tpu.memory_space<vmem>>) attributes {dimension_semantics = [], scalar_prefetch = 0 : i64, scratch_operands = 0 : i64, tpu.core_type = #tpu.core_type<tc>} {
    %get3A = arith.constant 0 : index
    %get3A_0 = arith.constant 0 : index
    %get3A_1 = arith.constant 0 : index
    %get3A_2 = vector.load %arg0[%get3A, %get3A_0, %get3A_1] : memref<2x10112x128xf32, #tpu.memory_space<vmem>>, vector<1x10000x128xf32>
    %get3A_3 = vector.shape_cast %get3A_2 : vector<1x10000x128xf32> to vector<10000x128xf32>
    %get3A_4 = arith.constant 1 : index
    %get3A_5 = arith.constant 0 : index
    %get3A_6 = arith.constant 0 : index
    %get3A_7 = vector.load %arg0[%get3A_4, %get3A_5, %get3A_6] : memref<2x10112x128xf32, #tpu.memory_space<vmem>>, vector<1x10000x128xf32>
    %get3A_8 = vector.shape_cast %get3A_7 : vector<1x10000x128xf32> to vector<10000x128xf32>
    %add3A = arith.addf %get3A_3, %get3A_8 : vector<10000x128xf32>
    %get3A_9 = arith.constant 0 : index
    %get3A_10 = arith.constant 0 : index
    %get3A_11 = vector.load %arg1[%get3A_9, %get3A_10] : memref<10112x128xf32, #tpu.memory_space<vmem>>, vector<10000x128xf32>
    %add3A_12 = arith.addf %add3A, %get3A_11 : vector<10000x128xf32>
    %get3A_13 = arith.constant 0 : index
    %get3A_14 = arith.constant 0 : index
    %get3A_15 = vector.load %arg2[%get3A_13, %get3A_14] : memref<10000x8xf32, #tpu.memory_space<vmem>>, vector<10000x1xf32>
    %mul3A = vector.broadcast %get3A_15 : vector<10000x1xf32> to vector<10000x128xf32>
    %mul3A_16 = arith.mulf %add3A_12, %mul3A : vector<10000x128xf32>
    %get3A_17 = arith.constant 0 : index
    %get3A_18 = arith.constant 0 : index
    %get3A_19 = vector.load %arg3[%get3A_17, %get3A_18] : memref<128x256xf32, #tpu.memory_space<vmem>>, vector<128x256xf32>
    %dot_general3A = arith.constant dense<0.000000e+00> : vector<10000x256xf32>
    %dot_general3A_20 = tpu.matmul %mul3A_16, %get3A_19, %dot_general3A {dimension_numbers = #tpu.dot_dimension_numbers<[1], [0], [0], [1], [0, 0, 1, 1], [], []>, transpose_lhs_hint = false} : vector<10000x128xf32>, vector<128x256xf32>, vector<10000x256xf32> -> vector<10000x256xf32>
    %get3A_21 = arith.constant 0 : index
    %get3A_22 = arith.constant 0 : index
    %get3A_23 = vector.load %arg4[%get3A_21, %get3A_22] : memref<1x256xf32, #tpu.memory_space<vmem>>, vector<1x256xf32>
    %add3A_24 = vector.broadcast %get3A_23 : vector<1x256xf32> to vector<10000x256xf32>
    %add3A_25 = arith.addf %dot_general3A_20, %add3A_24 : vector<10000x256xf32>
    %max3A = arith.constant 0.000000e+00 : f32
    %max3A_26 = vector.broadcast %max3A : f32 to vector<10000x256xf32>
    %max3A_27 = arith.maximumf %add3A_25, %max3A_26 : vector<10000x256xf32>
    %reduce_sum3A = arith.constant dense<0.000000e+00> : vector<256xf32>
    %reduce_sum3A_28 = vector.multi_reduction <add>, %max3A_27, %reduce_sum3A [0] : vector<10000x256xf32> to vector<256xf32>
    %broadcast_in_dim3A = vector.shape_cast %reduce_sum3A_28 : vector<256xf32> to vector<1x256xf32>
    %div3A = arith.constant 1.000000e+04 : f32
    %div3A_29 = vector.broadcast %div3A : f32 to vector<1x256xf32>
    %div3A_30 = arith.divf %broadcast_in_dim3A, %div3A_29 : vector<1x256xf32>
    %sub3A = vector.broadcast %div3A_30 : vector<1x256xf32> to vector<10000x256xf32>
    %sub3A_31 = arith.subf %max3A_27, %sub3A : vector<10000x256xf32>
    %integer_pow3A = arith.mulf %sub3A_31, %sub3A_31 : vector<10000x256xf32>
    %reduce_sum3A_32 = arith.constant dense<0.000000e+00> : vector<256xf32>
    %reduce_sum3A_33 = vector.multi_reduction <add>, %integer_pow3A, %reduce_sum3A_32 [0] : vector<10000x256xf32> to vector<256xf32>
    %broadcast_in_dim3A_34 = vector.shape_cast %reduce_sum3A_33 : vector<256xf32> to vector<1x256xf32>
    %div3A_35 = arith.constant 1.000000e+04 : f32
    %div3A_36 = vector.broadcast %div3A_35 : f32 to vector<1x256xf32>
    %div3A_37 = arith.divf %broadcast_in_dim3A_34, %div3A_36 : vector<1x256xf32>
    %sub3A_38 = vector.broadcast %div3A_30 : vector<1x256xf32> to vector<10000x256xf32>
    %sub3A_39 = arith.subf %max3A_27, %sub3A_38 : vector<10000x256xf32>
    %add3A_40 = arith.constant 9.99999974E-6 : f32
    %add3A_41 = vector.broadcast %add3A_40 : f32 to vector<1x256xf32>
    %add3A_42 = arith.addf %div3A_37, %add3A_41 : vector<1x256xf32>
    %rsqrt3A = math.rsqrt %add3A_42 : vector<1x256xf32>
    %mul3A_43 = vector.broadcast %rsqrt3A : vector<1x256xf32> to vector<10000x256xf32>
    %mul3A_44 = arith.mulf %sub3A_39, %mul3A_43 : vector<10000x256xf32>
    %get3A_45 = arith.constant 0 : index
    %get3A_46 = arith.constant 0 : index
    %get3A_47 = vector.load %arg5[%get3A_45, %get3A_46] : memref<1x256xf32, #tpu.memory_space<vmem>>, vector<1x256xf32>
    %mul3A_48 = vector.broadcast %get3A_47 : vector<1x256xf32> to vector<10000x256xf32>
    %mul3A_49 = arith.mulf %mul3A_44, %mul3A_48 : vector<10000x256xf32>
    %get3A_50 = arith.constant 0 : index
    %get3A_51 = arith.constant 0 : index
    %get3A_52 = vector.load %arg6[%get3A_50, %get3A_51] : memref<1x256xf32, #tpu.memory_space<vmem>>, vector<1x256xf32>
    %add3A_53 = vector.broadcast %get3A_52 : vector<1x256xf32> to vector<10000x256xf32>
    %add3A_54 = arith.addf %mul3A_49, %add3A_53 : vector<10000x256xf32>
    %get3A_55 = arith.constant 0 : index
    %get3A_56 = arith.constant 0 : index
    %get3A_57 = vector.load %arg8[%get3A_55, %get3A_56] : memref<256x64xf32, #tpu.memory_space<vmem>>, vector<256x64xf32>
    %dot_general3A_58 = arith.constant dense<0.000000e+00> : vector<10000x64xf32>
    %dot_general3A_59 = tpu.matmul %add3A_54, %get3A_57, %dot_general3A_58 {dimension_numbers = #tpu.dot_dimension_numbers<[1], [0], [0], [1], [0, 0, 1, 1], [], []>, transpose_lhs_hint = false} : vector<10000x256xf32>, vector<256x64xf32>, vector<10000x64xf32> -> vector<10000x64xf32>
    %broadcast_in_dim3A_60 = arith.constant 0.000000e+00 : f32
    %broadcast_in_dim3A_61 = vector.broadcast %broadcast_in_dim3A_60 : f32 to vector<10000x64xf32>
    %concatenate3A = tpu.concatenate %dot_general3A_59, %broadcast_in_dim3A_61 in 1 : vector<10000x64xf32>, vector<10000x64xf32> -> vector<10000x128xf32>
    %broadcast_in_dim3A_62 = arith.constant 0.000000e+00 : f32
    %broadcast_in_dim3A_63 = vector.broadcast %broadcast_in_dim3A_62 : f32 to vector<112x128xf32>
    %concatenate3A_64 = tpu.concatenate %concatenate3A, %broadcast_in_dim3A_63 in 0 : vector<10000x128xf32>, vector<112x128xf32> -> vector<10112x128xf32>
    %swap3A = arith.constant 0 : index
    %swap3A_65 = arith.constant 0 : index
    %swap3A_66 = vector.load %arg10[%swap3A, %swap3A_65] : memref<10112x128xf32, #tpu.memory_space<vmem>>, vector<10112x128xf32>
    tpu.vector_store %arg10[%swap3A, %swap3A_65], %concatenate3A_64 {strides = array<i32>} : memref<10112x128xf32, #tpu.memory_space<vmem>>, vector<10112x128xf32>,
    %get3A_67 = arith.constant 0 : index
    %get3A_68 = arith.constant 0 : index
    %get3A_69 = vector.load %arg7[%get3A_67, %get3A_68] : memref<256x64xf32, #tpu.memory_space<vmem>>, vector<256x64xf32>
    %dot_general3A_70 = arith.constant dense<0.000000e+00> : vector<10000x64xf32>
    %dot_general3A_71 = tpu.matmul %add3A_54, %get3A_69, %dot_general3A_70 {dimension_numbers = #tpu.dot_dimension_numbers<[1], [0], [0], [1], [0, 0, 1, 1], [], []>, transpose_lhs_hint = false} : vector<10000x256xf32>, vector<256x64xf32>, vector<10000x64xf32> -> vector<10000x64xf32>
    %get3A_72 = arith.constant 0 : index
    %get3A_73 = arith.constant 0 : index
    %get3A_74 = vector.load %arg9[%get3A_72, %get3A_73] : memref<1x64xf32, #tpu.memory_space<vmem>>, vector<1x64xf32>
    %add3A_75 = vector.broadcast %get3A_74 : vector<1x64xf32> to vector<10000x64xf32>
    %add3A_76 = arith.addf %dot_general3A_71, %add3A_75 : vector<10000x64xf32>
    %swap3A_77 = arith.constant 0 : index
    %swap3A_78 = arith.constant 0 : index
    %swap3A_79 = vector.load %arg11[%swap3A_77, %swap3A_78] : memref<10000x64xf32, #tpu.memory_space<vmem>>, vector<10000x64xf32>
    tpu.vector_store %arg11[%swap3A_77, %swap3A_78], %add3A_76 {strides = array<i32>} : memref<10000x64xf32, #tpu.memory_space<vmem>>, vector<10000x64xf32>,
    return
  }
}

module attributes {stable_mosaic.version = 14 : i64} {
  func.func @_tc_head_body(%arg0: memref<10000x64xf32, #tpu.memory_space<vmem>>, %arg1: memref<2x10112x128xf32, #tpu.memory_space<vmem>>, %arg2: memref<64x16xf32, #tpu.memory_space<vmem>>, %arg3: memref<1x16xf32, #tpu.memory_space<vmem>>, %arg4: memref<16x40xf32, #tpu.memory_space<vmem>>, %arg5: memref<1x40xf32, #tpu.memory_space<vmem>>, %arg6: memref<10000x40xf32, #tpu.memory_space<vmem>>) attributes {dimension_semantics = [], scalar_prefetch = 0 : i64, scratch_operands = 0 : i64, tpu.core_type = #tpu.core_type<tc>} {
    %get3A = arith.constant 0 : index
    %get3A_0 = arith.constant 0 : index
    %get3A_1 = vector.load %arg0[%get3A, %get3A_0] : memref<10000x64xf32, #tpu.memory_space<vmem>>, vector<10000x64xf32>
    %get3A_2 = arith.constant 0 : index
    %get3A_3 = arith.constant 0 : index
    %get3A_4 = arith.constant 0 : index
    %get3A_5 = vector.load %arg1[%get3A_2, %get3A_3, %get3A_4] : memref<2x10112x128xf32, #tpu.memory_space<vmem>>, vector<1x10000x64xf32>
    %get3A_6 = vector.shape_cast %get3A_5 : vector<1x10000x64xf32> to vector<10000x64xf32>
    %add3A = arith.addf %get3A_1, %get3A_6 : vector<10000x64xf32>
    %get3A_7 = arith.constant 1 : index
    %get3A_8 = arith.constant 0 : index
    %get3A_9 = arith.constant 0 : index
    %get3A_10 = vector.load %arg1[%get3A_7, %get3A_8, %get3A_9] : memref<2x10112x128xf32, #tpu.memory_space<vmem>>, vector<1x10000x64xf32>
    %get3A_11 = vector.shape_cast %get3A_10 : vector<1x10000x64xf32> to vector<10000x64xf32>
    %add3A_12 = arith.addf %add3A, %get3A_11 : vector<10000x64xf32>
    %max3A = arith.constant 0.000000e+00 : f32
    %max3A_13 = vector.broadcast %max3A : f32 to vector<10000x64xf32>
    %max3A_14 = arith.maximumf %add3A_12, %max3A_13 : vector<10000x64xf32>
    %get3A_15 = arith.constant 0 : index
    %get3A_16 = arith.constant 0 : index
    %get3A_17 = vector.load %arg2[%get3A_15, %get3A_16] : memref<64x16xf32, #tpu.memory_space<vmem>>, vector<64x16xf32>
    %dot_general3A = arith.constant dense<0.000000e+00> : vector<10000x16xf32>
    %dot_general3A_18 = tpu.matmul %max3A_14, %get3A_17, %dot_general3A {dimension_numbers = #tpu.dot_dimension_numbers<[1], [0], [0], [1], [0, 0, 1, 1], [], []>, transpose_lhs_hint = false} : vector<10000x64xf32>, vector<64x16xf32>, vector<10000x16xf32> -> vector<10000x16xf32>
    %get3A_19 = arith.constant 0 : index
    %get3A_20 = arith.constant 0 : index
    %get3A_21 = vector.load %arg3[%get3A_19, %get3A_20] : memref<1x16xf32, #tpu.memory_space<vmem>>, vector<1x16xf32>
    %add3A_22 = vector.broadcast %get3A_21 : vector<1x16xf32> to vector<10000x16xf32>
    %add3A_23 = arith.addf %dot_general3A_18, %add3A_22 : vector<10000x16xf32>
    %max3A_24 = arith.constant 0.000000e+00 : f32
    %max3A_25 = vector.broadcast %max3A_24 : f32 to vector<10000x16xf32>
    %max3A_26 = arith.maximumf %add3A_23, %max3A_25 : vector<10000x16xf32>
    %get3A_27 = arith.constant 0 : index
    %get3A_28 = arith.constant 0 : index
    %get3A_29 = vector.load %arg4[%get3A_27, %get3A_28] : memref<16x40xf32, #tpu.memory_space<vmem>>, vector<16x40xf32>
    %dot_general3A_30 = arith.constant dense<0.000000e+00> : vector<10000x40xf32>
    %dot_general3A_31 = tpu.matmul %max3A_26, %get3A_29, %dot_general3A_30 {dimension_numbers = #tpu.dot_dimension_numbers<[1], [0], [0], [1], [0, 0, 1, 1], [], []>, transpose_lhs_hint = false} : vector<10000x16xf32>, vector<16x40xf32>, vector<10000x40xf32> -> vector<10000x40xf32>
    %get3A_32 = arith.constant 0 : index
    %get3A_33 = arith.constant 0 : index
    %get3A_34 = vector.load %arg5[%get3A_32, %get3A_33] : memref<1x40xf32, #tpu.memory_space<vmem>>, vector<1x40xf32>
    %add3A_35 = vector.broadcast %get3A_34 : vector<1x40xf32> to vector<10000x40xf32>
    %add3A_36 = arith.addf %dot_general3A_31, %add3A_35 : vector<10000x40xf32>
    %swap3A = arith.constant 0 : index
    %swap3A_37 = arith.constant 0 : index
    %swap3A_38 = vector.load %arg6[%swap3A, %swap3A_37] : memref<10000x40xf32, #tpu.memory_space<vmem>>, vector<10000x40xf32>
    tpu.vector_store %arg6[%swap3A, %swap3A_37], %add3A_36 {strides = array<i32>} : memref<10000x40xf32, #tpu.memory_space<vmem>>, vector<10000x40xf32>,
    return
  }
}

</mosaic_0001>

<sc_bundles>
// kernel: kernel.12.cloned.1.call-start
scs
__scs_entry_jumppad:
0x0: {  	(pc) =	sbr.rel $0x88, $3  }
0x1: {  	(tag) =	ssettag $0x0;
	lr =	simm.s32 $0x1  }
0x2: {  	[smem:$0x3F92] =	sst lr;
	_ =	strace $0xD0000000  }
0x3: {  	_ = 	snop  }
0x4: {  	_ = 	snop  }
0x5: {  	_ = 	snop  }
0x6: {  	_ = 	snop  }
0x7: {  	_ = 	snop  }
__scs_overlays_trampoline_lowered:
0x8: {  	[smem:$0x3FA1] =	sst s0  }
0x9: {  	[smem:$0x3FA2] =	sst s1  }
0xa: {  	[smem:$0x3FA3] =	sst s2  }
0xb: {  	[smem:$0x3FA4] =	sst s3  }
0xc: {  	[smem:$0x3FA5] =	sst s4  }
0xd: {  	[smem:$0x3FA6] =	sst s5  }
0xe: {  	[smem:$0x3FA7] =	sst s6  }
0xf: {  	[smem:$0x3FA8] =	sst s7  }
0x10: {  	[smem:$0x3FA9] =	sst s8  }
0x11: {  	[smem:$0x3FAA] =	sst s9;
	s0 =	simm.s32 @!p0 $0x0  }
0x12: {  	s1 =	sld [smem:$0x3F90];
	s0 =	simm.s32 @p0 $0x1  }
0x13: {  	[smem:$0x3FAB] =	sst s0;
	s0 =	simm.s32 @!p1 $0x0  }
0x14: {  	s2 =	sld [smem:$0x3F8F];
	s0 =	simm.s32 @p1 $0x1  }
0x15: {  	[smem:$0x3FAC] =	sst s0;
	s0 =	simm.s32 @!p2 $0x0  }
0x16: {  	s3 =	sld [smem:$0x3FDB];
	s0 =	simm.s32 @p2 $0x1  }
0x17: {  	s4 =	simm.s32 $0x1BF5;
	[smem:$0x3FAE] =	sst s0  }
0x18: {  	s0 =	sld [smem:$0x3F91];
	_ =	swait.ge [sflag:s4], $0x0  }
0x19: {  	s7 =	sld [smem:$0x3F92]  }
0x1a: {  	s8 =	sadd.s32 $0xFFFFE003, lr  }
0x1b: {  	s9 =	sadd.s32 $0xFFFFFEF7, lr;
	s5 =	simm.s32 $0xFFFFFFFF;
	p2 =	slt.u32 s8, $0xFFFFF086  }
0x1c: {  	p1 =	slt.u32 s9, $0xF7A;
	s5 =	simm.s32 @!p2 $0x0  }
0x1d: {  	s5 =	simm.s32 @p1 $0x1;
	p0 =	seq.s32 s7, s2  }
0x1e: {  	s7 =	smul.u32 @!p0 $0xF7A, s2;
	p2 =	seq.s32 @!p0 s5, $0x0  }
0x1f: {  	s9 =	smul.u32 $0xF7A, s1;
	s8 =	simm.s32 @!p0 $0x1BF5;
	p2 =	por !p2, p0  }
0x20: {  	[sflag:s8] =	ssyncset.s32 @!p0 $0xFFFFF086;
	s6 =	sadd.s32 @!p0 s3, s7;
	s7 =	simm.s32 @!p0 $0x108  }
0x21: {  	s3 =	sadd.s32 s3, s9;
	s6 =	sadd.s32 @!p0 $0x88, s6;
	s7 =	simm.s32 @p2 $0x1082  }
0x22: {  	[simem:s7], [sflag:s8] =	dma.local @!p0 [hbm:s6], $0xF7A  }
0x23: {  	s9 =	sor.u32 $0xD0000000, s2;
	s6 =	simm.s32 $0x108;
	_ =	swait.ge @!p0 [sflag:s8], $0x0  }
0x24: {  	s3 =	sadd.s32 $0x88, s3;
	s6 =	simm.s32 @!p1 $0x1082;
	[sflag:s4] =	ssyncset.s32 $0xFFFFF086  }
0x25: {  	[simem:s6], [sflag:s4] =	dma.local [hbm:s3], $0xF7A  }
0x26: {  	[smem:$0x3F92] =	sst s1;
	(tag) =	ssettag s2;
	_ =	strace s9  }
0x27: {  	s1 =	sld [smem:$0x3FA2]  }
0x28: {  	s2 =	sld [smem:$0x3FA3]  }
0x29: {  	s4 =	sld [smem:$0x3FA5]  }
0x2a: {  	p0 =	seq.s32 s5, $0x0;
	s5 =	sld [smem:$0x3FA6]  }
0x2b: {  	s6 =	sld [smem:$0x3FA7]  }
0x2c: {  	s7 =	sld [smem:$0x3FA8]  }
0x2d: {  	s3 =	simm.s32 $0x108;
	s8 =	sld [smem:$0x3FA9]  }
0x2e: {  	s3 =	simm.s32 @!p0 $0x1082;
	s9 =	sld [smem:$0x3FAA]  }
0x2f: {  	lr =	sadd.s32 s0, s3;
	s0 =	sld [smem:$0x3FA1]  }
0x30: {  	s3 =	sld [smem:$0x3FA4]  }
0x31: {  	[smem:$0x3FAD] =	sst s10  }
0x32: {  	s10 =	sld [smem:$0x3FAB];
	_ =	sdelay $0x3  }
0x33: {  	p0 =	seq.s32 s10, $0x1;
	s10 =	sld [smem:$0x3FAD];
	_ =	sdelay $0x3  }
0x34: {  	[smem:$0x3FAD] =	sst s10  }
0x35: {  	s10 =	sld [smem:$0x3FAC];
	_ =	sdelay $0x3  }
0x36: {  	p1 =	seq.s32 s10, $0x1;
	s10 =	sld [smem:$0x3FAD];
	_ =	sdelay $0x3  }
0x37: {  	[smem:$0x3FAD] =	sst s10  }
0x38: {  	s10 =	sld [smem:$0x3FAE]  }
0x39: {  	_ = 	snop;
	(pc) =	sbr.ind lr, $3  }
0x3a: {  	_ = 	snop  }
0x3b: {  	_ = 	snop  }
0x3c: {  	p2 =	seq.s32 s10, $0x1;
	s10 =	sld [smem:$0x3FAD]  }
0x3d: {  	_ =	shalt  }
0x3e: {  	_ =	shalt  }
0x3f: {  	_ =	shalt  }
0x40: {  	_ =	shalt  }
0x41: {  	_ =	shalt  }
0x42: {  	_ =	shalt  }
0x43: {  	_ =	shalt  }
0x44: {  	_ =	shalt  }
0x45: {  	_ =	shalt  }
0x46: {  	_ =	shalt  }
0x47: {  	_ =	shalt  }
0x48: {  	_ =	shalt  }
0x49: {  	_ =	shalt  }
0x4a: {  	_ =	shalt  }
0x4b: {  	_ =	shalt  }
0x4c: {  	_ =	shalt  }
0x4d: {  	_ =	shalt  }
0x4e: {  	_ =	shalt  }
0x4f: {  	_ =	shalt  }
0x50: {  	_ =	shalt  }
0x51: {  	_ =	shalt  }
0x52: {  	_ =	shalt  }
0x53: {  	_ =	shalt  }
0x54: {  	_ =	shalt  }
0x55: {  	_ =	shalt  }
0x56: {  	_ =	shalt  }
0x57: {  	_ =	shalt  }
0x58: {  	_ =	shalt  }
0x59: {  	_ =	shalt  }
0x5a: {  	_ =	shalt  }
0x5b: {  	_ =	shalt  }
0x5c: {  	_ =	shalt  }
0x5d: {  	_ =	shalt  }
0x5e: {  	_ =	shalt  }
0x5f: {  	_ =	shalt  }
0x60: {  	_ =	shalt  }
0x61: {  	_ =	shalt  }
0x62: {  	_ =	shalt  }
0x63: {  	_ =	shalt  }
0x64: {  	_ =	shalt  }
0x65: {  	_ =	shalt  }
0x66: {  	_ =	shalt  }
0x67: {  	_ =	shalt  }
0x68: {  	_ =	shalt  }
0x69: {  	_ =	shalt  }
0x6a: {  	_ =	shalt  }
0x6b: {  	_ =	shalt  }
0x6c: {  	_ =	shalt  }
0x6d: {  	_ =	shalt  }
0x6e: {  	_ =	shalt  }
0x6f: {  	_ =	shalt  }
0x70: {  	_ =	shalt  }
0x71: {  	_ =	shalt  }
0x72: {  	_ =	shalt  }
0x73: {  	_ =	shalt  }
0x74: {  	_ =	shalt  }
0x75: {  	_ =	shalt  }
0x76: {  	_ =	shalt  }
0x77: {  	_ =	shalt  }
0x78: {  	_ =	shalt  }
0x79: {  	_ =	shalt  }
0x7a: {  	_ =	shalt  }
0x7b: {  	_ =	shalt  }
0x7c: {  	_ =	shalt  }
0x7d: {  	_ =	shalt  }
0x7e: {  	_ =	shalt  }
0x7f: {  	_ =	shalt  }
0x80: {  	_ =	shalt  }
0x81: {  	_ =	shalt  }
0x82: {  	_ =	shalt  }
0x83: {  	_ =	shalt  }
0x84: {  	_ =	shalt  }
0x85: {  	_ =	shalt  }
0x86: {  	_ =	shalt  }
0x87: {  	_ =	shalt  }
.Lfunc_end0:
.L_simem_size_0:
called_computation.1_lowered:
.L_overlay_start_0:
0x88: {  	s2 =	sld [smem:$0x3FD9]  }
0x89: {  	s3 =	sld [smem:$0x3FFE];
	_ =	sdelay $0x1  }
0x8a: {  	s1 =	srdreg.scid  }
0x8b: {  	s0 =	sand.u32 $0x1, s1  }
0x8c: {  	s17 =	sshll.u32 s0, $0xA;
	s2 =	sadd.s32 s3, s2  }
0x8d: {  	s2 =	sadd.s32 s2, s17  }
0x8e: {  	[smem:$0x3FB9] =	sst s2  }
0x8f: {  	_ = 	snop  }
0x90: {  	s2 =	sld [smem:$0x3FD0];
	(tm) =	ssettm $0x1  }
0x91: {  	s18 =	sld [smem:$0x3FFB];
	_ =	sdelay $0x3  }
0x92: {  	_ =	strace s18  }
0x93: {  	s3 =	sld [smem:$0x3FFC];
	_ =	sdelay $0x3  }
0x94: {  	_ =	strace s3  }
0x95: {  	s3 =	sld [smem:$0x3FFD];
	_ =	sdelay $0x3  }
0x96: {  	_ =	strace s3  }
0x97: {  	_ =	strace $0x8FFFFFFF  }
0x98: {  	s19 =	sld [smem:$0x3FDB];
	_ =	sdelay $0x1  }
0x99: {  	s4 =	simm.s32 $_scs_section_size  }
0x9a: {  	s5 =	simm.s32 $_size__tile_overlayer_lowered;
	s6 =	simm.s32 $_tile_overlayer_lowered  }
0x9b: {  	s22 =	simm.s32 $0x1BFF;
	s21 =	sshll.u32 s6, $0x1;
	s3 =	sadd.s32 s4, s19  }
0x9c: {  	s7 =	simm.s32 $0x0;
	s20 =	sshll.u32 s5, $0x1;
	s5 =	sadd.s32 s21, s3  }
0x9d: {  	[timem:s7], [sflag:s22] =	dma.local [hbm:s5], s20  }
0x9e: {  	_ =	swait.ge [sflag:s22], s20  }
0x9f: {  	s4 =	ssub.s32 $0x0, s20;
	[sflag:s22] =	ssyncset.done $0x0  }
0xa0: {  	[sflag:s22] =	ssyncadd.s32 s4;
	_ =	sdelay $0x1  }
0xa1: {  	s23 =	simm.s32 $0x1B8B  }
0xa2: {  	_ =	swait.ge [sflag:s23], $0x1  }
0xa3: {  	[sflag:s23] =	ssyncset.done $0x0  }
0xa4: {  	s25 =	simm.s32 $0x1B8E;
	s24 =	sld [smem:$0x3FFE];
	[sflag:s23] =	ssyncadd.s32 $0xFFFFFFFF  }
0xa5: {  	s26 =	simm.s32 $execute0_lowered;
	[smem:$0x3FD2] =	sst s25  }
0xa6: {  	s5 =	sshll.u32 s26, $0x1;
	_ =	strace $0x80000049;
	[dreg:$0x1] =	wrdreg $0xFFFFFFFF  }
0xa7: {  	s28 =	simm.s32 $_size_execute0_lowered;
	s3 =	sadd.s32 s3, s5;
	[dreg:$0x0] =	wrdreg $0x0  }
0xa8: {  	s5 =	sshll.u32 s28, $0x1;
	[dreg:$0x2] =	wrdreg s3  }
0xa9: {  	[dreg:$0x3] =	wrdreg s5  }
0xaa: {  	[dreg:$0x4] =	wrdreg $0xC0  }
0xab: {  	_ =	task [dreg:s7], $0x5FFFF  }
0xac: {  	[dreg:$0x1] =	wrdreg $0xFFFFFFFF  }
0xad: {  	[dreg:$0x0] =	wrdreg $0x60  }
0xae: {  	[dreg:$0x2] =	wrdreg s24  }
0xaf: {  	[dreg:$0x3] =	wrdreg s2  }
0xb0: {  	[dreg:$0x4] =	wrdreg $0x52000  }
0xb1: {  	[dreg:$0x5] =	wrdreg $0x9  }
0xb2: {  	_ =	task.clear_ibuf [dreg:s7], $0x6FFFF;
	_ =	strace $0x90000049  }
0xb3: {  	s29 =	simm.s32 $0x9;
	_ =	strace $0x8000004B  }
0xb4: {  	_ =	swait.ge [sflag:s29], $0x1  }
0xb5: {  	[sflag:s29] =	ssyncadd.s32 $0xFFFFFFFF  }
0xb6: {  	_ =	strace $0x9000004B  }
0xb7: {  	_ =	sfence  }
0xb8: {  	s30 =	sld [smem:$0x0];
	_ =	sdelay $0x2  }
0xb9: {  	s31 =	sshll.u32 s1, $0xD;
	s1 =	sshrl.u32 s1, $0x2  }
0xba: {  	s3 =	sand.u32 $0x4000, s31;
	s1 =	sadd.s32 s1, s30  }
0xbb: {  	s0 =	sor.u32 s3, s0;
	s1 =	sshll.u32 s1, $0x11  }
0xbc: {  	s0 =	sor.u32 s1, s0  }
0xbd: {  	s0 =	sadd.s32 $0x8F2B, s0  }
0xbe: {  	[sflag:s0] =	ssyncadd.remote.s32 $0x1  }
0xbf: {  	_ =	sfence.sel $0xFFFF  }
0xc0: {  	[dreg:$0x0] =	wrdreg $0xFFFFFFFF;
	(pc) =	sbr.abs _section_cstart, $3  }
0xc1: {  	[dreg:$0x1] =	wrdreg $0xFFFFFFFF  }
0xc2: {  	_ =	task.clear_ibuf [dreg:s7], $0x2FFFF;
	_ =	strace $0x9FFFFFFF  }
0xc3: {  	(tm) =	ssettm $0x7FFFFFFF  }
tec
execute0_lowered:
.L_overlay_start_1:
0x0: {  	(tag) =	ssettag $0x1  }
0x1: {  	s5 =	rddreg [dreg:$0x0]  }
0x2: {  	s14 =	rddreg [dreg:$0x1]  }
0x3: {  	s2 =	rddreg [dreg:$0x2]  }
0x4: {  	s1 =	stileid.u32;
	s4 =	srdreg.scid  }
0x5: {  	s3 =	simm.s32 $0x0;
	s19 =	simm.s32 $0x200;
	s6 =	smul.u32 $0x13C00, s1  }
0x6: {  	s20 =	simm.s32 $0x80;
	s8 =	sand.u32 $0x1, s4;
	s11 =	smul.u32 $0x4F000, s1  }
0x7: {  	[smem:$0x7FF] =	sst s3;
	s4 =	sadd.s32 $0x45600, s5;
	s18 =	smul.u32 $0x4EC, s1  }
0x8: {  	s12 =	sadd.s32 $0x4000, s5;
	s28 =	sshll.u32 s1, $0x6;
	s7 =	smul.u32 $0x13C000, s8  }
0x9: {  	_ =	strace $0x8000004A;
	s22 =	ssub.s32 $0x2, s8;
	s10 =	sshll.u32 s8, $0x4  }
0xa: {  	s17 =	smul.u32 $0x4EC0, s8;
	s9 =	sshrl.u32 s6, $0x3;
	s23 =	sshrl.u32 s22, $0x1  }
0xb: {  	s24 =	sor.u32 s1, s10;
	s25 =	sshrl.u32 s11, $0x2;
	s6 =	sadd.s32 s6, s7  }
0xc: {  	s21 =	sadd.s32 s9, s5;
	s15 =	ssub.s32 s22, s23;
	s26 =	smul.u32 $0x2760, s24  }
0xd: {  	s16 =	sadd.s32 s25, s2;
	s29 =	smul.u32 $0x4EC, s24;
	s31 =	sadd.s32 s17, s12  }
0xe: {  	s22 =	simm.s32 $0x2A00;
	s23 =	simm.s32 $0x1;
	s6 =	sshrl.u32 s6, $0x3  }
0xf: {  	s24 =	simm.s32 $0x2;
	s25 =	simm.s32 $0x0;
	s13 =	sadd.s32 s6, s5  }
0x10: {  	s5 =	sadd.s32 $0x1DE00, s21;
	s6 =	sor.u32 $0x1C03, s28;
	s9 =	sshrl.u32 s26, $0x3  }
0x11: {  	s7 =	sadd.s32 s12, s29;
	s8 =	sadd.s32 s14, s29;
	s21 =	simm.s32 $0x180  }
0x12: {  	s30 =	sadd.s32 $0xA, s9;
	s11 =	sadd.s32 $0x6CE00, s13;
	s13 =	sadd.s32 s18, s31  }
0x13: {  	s9 =	sadd.s32 s12, s30;
	s10 =	sadd.s32 s14, s30;
	s12 =	smax.u32 s15, $0x1  }
0x14: {  	s14 =	sadd.s32 s17, s14;
	s15 =	sshrl.u32 s16, $0x3;
	s16 =	simm.s32 $0x3  }
0x15: {  	s17 =	simm.s32 $0x100;
	s14 =	sadd.s32 s18, s14;
	s18 =	simm.s32 $0x50  }
.LBB2_1:
0x16: {  	[spmem:s15], [sflag:s6] =	dma.local [hbm:s5], $0x2780  }
0x17: {  	_ =	swait.ge [sflag:s16], $0x2780  }
0x18: {  	[sflag:s16] =	ssyncset.done $0x0  }
0x19: {  	[sflag:s16] =	ssyncadd.s32 $0xFFFFD880  }
0x1a: {  	[tilespmem:s3], [sflag:$0x3] =	stream.linear.gather [hbm4b:s7+s3], $0x50, $0x38;
	[tilespmem:$0x18E00] =	vst v63  }
0x1b: {  	_ =	swait.ge [sflag:s16], $0x50  }
0x1c: {  	[sflag:s16] =	ssyncset.done $0x0  }
0x1d: {  	[sflag:s16] =	ssyncadd.s32 $0xFFFFFFB0  }
0x1e: {  	[tilespmem:s17], [sflag:$0x3] =	stream.linear.gather [hbm4b:s8+s3], $0x50, $0x38;
	[tilespmem:$0x18E00] =	vst v63  }
0x1f: {  	_ =	swait.ge [sflag:s16], $0x50  }
0x20: {  	[sflag:s16] =	ssyncset.done $0x0  }
0x21: {  	[sflag:s16] =	ssyncadd.s32 $0xFFFFFFB0  }
0x22: {  	[tilespmem:s19], [sflag:$0x1] =	stream.indirect.gather [hbm4b:s4+s18], $0x80, s3, s18, $0xb8;
	[tilespmem:$0x18E00] =	vst v63  }
0x23: {  	[bflag:$0x0] =	sbarrier.arrive $0xFFFF  }
0x24: {  	[tilespmem:s20], [sflag:$0x3] =	stream.linear.gather [hbm4b:s9+s3], $0x50, $0x38;
	[tilespmem:$0x18E00] =	vst v63  }
0x25: {  	_ =	swait.ge [sflag:s16], $0x50  }
0x26: {  	[sflag:s16] =	ssyncset.done $0x0  }
0x27: {  	[sflag:s16] =	ssyncadd.s32 $0xFFFFFFB0  }
0x28: {  	[tilespmem:s21], [sflag:$0x3] =	stream.linear.gather [hbm4b:s10+s3], $0x50, $0x38;
	[tilespmem:$0x18E00] =	vst v63  }
0x29: {  	_ =	swait.ge [sflag:s16], $0x50  }
0x2a: {  	[sflag:s16] =	ssyncset.done $0x0  }
0x2b: {  	[sflag:s16] =	ssyncadd.s32 $0xFFFFFFB0  }
0x2c: {  	[tilespmem:s22], [sflag:$0x2] =	stream.indirect.gather [hbm4b:s4+s18], $0x80, s20, s18, $0xb8;
	[tilespmem:$0x18E00] =	vst v63  }
0x2d: {  	_ =	swait.ge [sflag:s23], $0x2800  }
0x2e: {  	[sflag:s23] =	ssyncset.done $0x0  }
0x2f: {  	[sflag:s23] =	ssyncadd.s32 $0xFFFFD800  }
0x30: {  	[spmem:s2] =	stream.indirect.scatter.add.f32 [tilespmem:s19], [sflag:$0x3], $0x80, s17, s18, $0xb8;
	[tilespmem:$0x18E00] =	vst v63  }
0x31: {  	_ =	swait.ge [sflag:s16], $0x2800  }
0x32: {  	s26 =	sadd.s32 $0x0, s13;
	[sflag:s16] =	ssyncset.done $0x0  }
0x33: {  	s28 =	sadd.s32 $0x14, s26;
	[sflag:s16] =	ssyncadd.s32 $0xFFFFD800  }
0x34: {  	[tilespmem:s3], [sflag:$0x3] =	stream.linear.gather [hbm4b:s28+s3], $0x50, $0x38;
	[tilespmem:$0x18E00] =	vst v63  }
0x35: {  	_ =	swait.ge [sflag:s16], $0x50  }
0x36: {  	s0 =	sadd.s32 $0x0, s14;
	[sflag:s16] =	ssyncset.done $0x0  }
0x37: {  	s29 =	sadd.s32 $0x14, s0;
	[sflag:s16] =	ssyncadd.s32 $0xFFFFFFB0  }
0x38: {  	[tilespmem:s17], [sflag:$0x3] =	stream.linear.gather [hbm4b:s29+s3], $0x50, $0x38;
	[tilespmem:$0x18E00] =	vst v63  }
0x39: {  	_ =	swait.ge [sflag:s16], $0x50  }
0x3a: {  	[sflag:s16] =	ssyncset.done $0x0  }
0x3b: {  	[sflag:s16] =	ssyncadd.s32 $0xFFFFFFB0  }
0x3c: {  	[tilespmem:s19], [sflag:$0x1] =	stream.indirect.gather [hbm4b:s4+s18], $0x80, s3, s18, $0xb8;
	[tilespmem:$0x18E00] =	vst v63  }
0x3d: {  	_ =	swait.ge [sflag:s24], $0x2800  }
0x3e: {  	[sflag:s24] =	ssyncset.done $0x0  }
0x3f: {  	[sflag:s24] =	ssyncadd.s32 $0xFFFFD800  }
0x40: {  	[spmem:s2] =	stream.indirect.scatter.add.f32 [tilespmem:s22], [sflag:$0x3], $0x80, s21, s18, $0xb8;
	[tilespmem:$0x18E00] =	vst v63  }
0x41: {  	_ =	swait.ge [sflag:s16], $0x2800  }
0x42: {  	[sflag:s16] =	ssyncset.done $0x0  }
0x43: {  	s26 =	sadd.s32 $0x1E, s26;
	[sflag:s16] =	ssyncadd.s32 $0xFFFFD800  }
0x44: {  	[tilespmem:s20], [sflag:$0x3] =	stream.linear.gather [hbm4b:s26+s3], $0x50, $0x38;
	[tilespmem:$0x18E00] =	vst v63  }
0x45: {  	_ =	swait.ge [sflag:s16], $0x50  }
0x46: {  	[sflag:s16] =	ssyncset.done $0x0  }
0x47: {  	s31 =	sadd.s32 $0x1E, s0;
	[sflag:s16] =	ssyncadd.s32 $0xFFFFFFB0  }
0x48: {  	[tilespmem:s21], [sflag:$0x3] =	stream.linear.gather [hbm4b:s31+s3], $0x50, $0x38;
	[tilespmem:$0x18E00] =	vst v63  }
0x49: {  	_ =	swait.ge [sflag:s16], $0x50  }
0x4a: {  	[sflag:s16] =	ssyncset.done $0x0  }
0x4b: {  	[sflag:s16] =	ssyncadd.s32 $0xFFFFFFB0  }
0x4c: {  	[tilespmem:s22], [sflag:$0x2] =	stream.indirect.gather [hbm4b:s4+s18], $0x80, s20, s18, $0xb8;
	[tilespmem:$0x18E00] =	vst v63  }
0x4d: {  	_ =	swait.ge [sflag:s23], $0x2800  }
0x4e: {  	[sflag:s23] =	ssyncset.done $0x0  }
0x4f: {  	[sflag:s23] =	ssyncadd.s32 $0xFFFFD800  }
0x50: {  	[spmem:s2] =	stream.indirect.scatter.add.f32 [tilespmem:s19], [sflag:$0x3], $0x80, s17, s18, $0xb8;
	[tilespmem:$0x18E00] =	vst v63  }
0x51: {  	s30 =	simm.s32 $0x28;
	_ =	swait.ge [sflag:s16], $0x2800  }
0x52: {  	s29 =	sadd.s32 $0x14, s13;
	s26 =	simm.s32 $0x14;
	[sflag:s16] =	ssyncset.done $0x0  }
.LBB2_2:
0x53: {  	s31 =	sadd.s32 $0x14, s29  }
0x54: {  	[sflag:s16] =	ssyncadd.s32 $0xFFFFD800;
	s0 =	smov.u32 s30;
	s28 =	sadd.s32 $0x14, s30  }
0x55: {  	[tilespmem:s3], [sflag:$0x3] =	stream.linear.gather [hbm4b:s31+s3], $0x50, $0x38;
	[tilespmem:$0x18E00] =	vst v63  }
0x56: {  	p0 =	sne.s32 s30, $0x4C4;
	_ =	swait.ge [sflag:s16], $0x50  }
0x57: {  	s30 =	sadd.s32 s26, s14;
	s26 =	smov.u32 s0;
	[sflag:s16] =	ssyncset.done $0x0  }
0x58: {  	s0 =	sadd.s32 $0x14, s30;
	[sflag:s16] =	ssyncadd.s32 $0xFFFFFFB0  }
0x59: {  	[tilespmem:s17], [sflag:$0x3] =	stream.linear.gather [hbm4b:s0+s3], $0x50, $0x38;
	[tilespmem:$0x18E00] =	vst v63  }
0x5a: {  	_ =	swait.ge [sflag:s16], $0x50  }
0x5b: {  	[sflag:s16] =	ssyncset.done $0x0  }
0x5c: {  	[sflag:s16] =	ssyncadd.s32 $0xFFFFFFB0  }
0x5d: {  	[tilespmem:s19], [sflag:$0x1] =	stream.indirect.gather [hbm4b:s4+s18], $0x80, s3, s18, $0xb8;
	[tilespmem:$0x18E00] =	vst v63  }
0x5e: {  	_ =	swait.ge [sflag:s24], $0x2800  }
0x5f: {  	[sflag:s24] =	ssyncset.done $0x0  }
0x60: {  	[sflag:s24] =	ssyncadd.s32 $0xFFFFD800  }
0x61: {  	[spmem:s2] =	stream.indirect.scatter.add.f32 [tilespmem:s22], [sflag:$0x3], $0x80, s21, s18, $0xb8;
	[tilespmem:$0x18E00] =	vst v63  }
0x62: {  	_ =	swait.ge [sflag:s16], $0x2800  }
0x63: {  	[sflag:s16] =	ssyncset.done $0x0  }
0x64: {  	s0 =	sadd.s32 $0x1E, s29;
	[sflag:s16] =	ssyncadd.s32 $0xFFFFD800  }
0x65: {  	[tilespmem:s20], [sflag:$0x3] =	stream.linear.gather [hbm4b:s0+s3], $0x50, $0x38;
	[tilespmem:$0x18E00] =	vst v63  }
0x66: {  	_ =	swait.ge [sflag:s16], $0x50  }
0x67: {  	[sflag:s16] =	ssyncset.done $0x0  }
0x68: {  	s0 =	sadd.s32 $0x1E, s30;
	[sflag:s16] =	ssyncadd.s32 $0xFFFFFFB0  }
0x69: {  	[tilespmem:s21], [sflag:$0x3] =	stream.linear.gather [hbm4b:s0+s3], $0x50, $0x38;
	[tilespmem:$0x18E00] =	vst v63  }
0x6a: {  	_ =	swait.ge [sflag:s16], $0x50  }
0x6b: {  	[sflag:s16] =	ssyncset.done $0x0  }
0x6c: {  	[sflag:s16] =	ssyncadd.s32 $0xFFFFFFB0  }
0x6d: {  	[tilespmem:s22], [sflag:$0x2] =	stream.indirect.gather [hbm4b:s4+s18], $0x80, s20, s18, $0xb8;
	[tilespmem:$0x18E00] =	vst v63  }
0x6e: {  	_ =	swait.ge [sflag:s23], $0x2800  }
.Ltmp0:
0x6f: {  	[sflag:s23] =	ssyncset.done $0x0;
	(pc) =	sbr.rel @p0 .LBB2_2-.Ltmp0, $4  }
0x70: {  	[sflag:s23] =	ssyncadd.s32 $0xFFFFD800  }
0x71: {  	[spmem:s2] =	stream.indirect.scatter.add.f32 [tilespmem:s19], [sflag:$0x3], $0x80, s17, s18, $0xb8;
	[tilespmem:$0x18E00] =	vst v63  }
0x72: {  	_ =	swait.ge [sflag:s16], $0x2800  }
0x73: {  	s29 =	sadd.s32 s26, s13;
	s30 =	smov.u32 s28;
	[sflag:s16] =	ssyncset.done $0x0  }
0x74: {  	s0 =	sadd.s32 $0x14, s29;
	[sflag:s16] =	ssyncadd.s32 $0xFFFFD800  }
0x75: {  	[tilespmem:s3], [sflag:$0x3] =	stream.linear.gather [hbm4b:s0+s3], $0x50, $0x38;
	[tilespmem:$0x18E00] =	vst v63  }
0x76: {  	_ =	swait.ge [sflag:s16], $0x50  }
0x77: {  	s30 =	sadd.s32 s26, s14;
	[sflag:s16] =	ssyncset.done $0x0  }
0x78: {  	s26 =	sadd.s32 $0x14, s30;
	[sflag:s16] =	ssyncadd.s32 $0xFFFFFFB0  }
0x79: {  	[tilespmem:s17], [sflag:$0x3] =	stream.linear.gather [hbm4b:s26+s3], $0x50, $0x38;
	[tilespmem:$0x18E00] =	vst v63  }
0x7a: {  	_ =	swait.ge [sflag:s16], $0x50  }
0x7b: {  	[sflag:s16] =	ssyncset.done $0x0  }
0x7c: {  	[sflag:s16] =	ssyncadd.s32 $0xFFFFFFB0  }
0x7d: {  	[tilespmem:s19], [sflag:$0x1] =	stream.indirect.gather [hbm4b:s4+s18], $0x80, s3, s18, $0xb8;
	[tilespmem:$0x18E00] =	vst v63  }
0x7e: {  	_ =	swait.ge [sflag:s24], $0x2800  }
0x7f: {  	[sflag:s24] =	ssyncset.done $0x0  }
0x80: {  	[sflag:s24] =	ssyncadd.s32 $0xFFFFD800  }
0x81: {  	[spmem:s2] =	stream.indirect.scatter.add.f32 [tilespmem:s22], [sflag:$0x3], $0x80, s21, s18, $0xb8;
	[tilespmem:$0x18E00] =	vst v63  }
0x82: {  	_ =	swait.ge [sflag:s16], $0x2800  }
0x83: {  	[sflag:s16] =	ssyncset.done $0x0  }
0x84: {  	s31 =	sadd.s32 $0x1E, s29;
	[sflag:s16] =	ssyncadd.s32 $0xFFFFD800  }
0x85: {  	[tilespmem:s20], [sflag:$0x3] =	stream.linear.gather [hbm4b:s31+s3], $0x50, $0x38;
	[tilespmem:$0x18E00] =	vst v63  }
0x86: {  	_ =	swait.ge [sflag:s16], $0x50  }
0x87: {  	[sflag:s16] =	ssyncset.done $0x0  }
0x88: {  	s0 =	sadd.s32 $0x1E, s30;
	[sflag:s16] =	ssyncadd.s32 $0xFFFFFFB0  }
0x89: {  	[tilespmem:s21], [sflag:$0x3] =	stream.linear.gather [hbm4b:s0+s3], $0x50, $0x38;
	[tilespmem:$0x18E00] =	vst v63  }
0x8a: {  	_ =	swait.ge [sflag:s16], $0x50  }
0x8b: {  	[sflag:s16] =	ssyncset.done $0x0  }
0x8c: {  	[sflag:s16] =	ssyncadd.s32 $0xFFFFFFB0  }
0x8d: {  	[tilespmem:s22], [sflag:$0x2] =	stream.indirect.gather [hbm4b:s4+s18], $0x80, s20, s18, $0xb8;
	[tilespmem:$0x18E00] =	vst v63  }
0x8e: {  	_ =	swait.ge [sflag:s23], $0x2800  }
0x8f: {  	[sflag:s23] =	ssyncset.done $0x0  }
0x90: {  	[sflag:s23] =	ssyncadd.s32 $0xFFFFD800  }
0x91: {  	[spmem:s2] =	stream.indirect.scatter.add.f32 [tilespmem:s19], [sflag:$0x3], $0x80, s17, s18, $0xb8;
	[tilespmem:$0x18E00] =	vst v63  }
0x92: {  	_ =	swait.ge [sflag:s16], $0x2800  }
0x93: {  	[sflag:s16] =	ssyncset.done $0x0  }
0x94: {  	[sflag:s16] =	ssyncadd.s32 $0xFFFFD800  }
0x95: {  	_ =	swait.ge [sflag:s24], $0x2800  }
0x96: {  	[sflag:s24] =	ssyncset.done $0x0  }
0x97: {  	[sflag:s24] =	ssyncadd.s32 $0xFFFFD800  }
0x98: {  	[spmem:s2] =	stream.indirect.scatter.add.f32 [tilespmem:s22], [sflag:$0x3], $0x80, s21, s18, $0xb8;
	[tilespmem:$0x18E00] =	vst v63  }
0x99: {  	_ =	swait.ge [sflag:s16], $0x2800  }
0x9a: {  	s25 =	sadd.s32 $0x1, s25;
	[sflag:s16] =	ssyncset.done $0x0  }
0x9b: {  	p0 =	sne.s32 s25, s12;
	[sflag:s16] =	ssyncadd.s32 $0xFFFFD800  }
.Ltmp1:
0x9c: {  	[bflag:$0x0] =	sbarrier.arrive $0xFFFF;
	(pc) =	sbr.rel @p0 .LBB2_1-.Ltmp1, $4  }
0x9d: {  	[hbm:s11], [sflag:s6] =	dma.local [spmem:s15], $0x2780  }
0x9e: {  	_ =	swait.ge [sflag:s16], $0x2780  }
0x9f: {  	[sflag:s16] =	ssyncset.done $0x0  }
0xa0: {  	[sflag:s16] =	ssyncadd.s32 $0xFFFFD880  }
0xa1: {  	_ =	sfence.sel $0x180000  }
0xa2: {  	[bflag:$0x0] =	sbarrier.arrive $0xFFFF  }
0xa3: {  	_ =	strace $0x9000004A  }
0xa4: {  	[bflag:$0x2] =	sbarrier.arrive $0xFFFF  }
0xa5: {  	p0 =	sne.s32 s1, $0x0;
	s0 =	rddreg [dreg:$0x3]  }
0xa6: {  	s0 =	sadd.s32 @!p0 $0x100000, s0  }
0xa7: {  	[sflag:s0] =	ssyncadd.tile.s32 @!p0 $0x1;
	_ =	shalt  }
.Lfunc_end2:
_tile_overlayer_lowered:
.L_overlay_start_2:
0xa8: {  	(tag) =	ssettag $0x2  }
0xa9: {  	s0 =	rddreg [dreg:$0x0];
	s2 =	stileid.u32  }
0xaa: {  	s1 =	rddreg [dreg:$0x1];
	p0 =	sne.s32 s2, $0x0  }
0xab: {  	s3 =	rddreg [dreg:$0x2];
	[bflag:$0x3] =	sbarrier.arrive $0xFFFF;
	s2 =	simm.s32 @!p0 $0x1C03  }
0xac: {  	[timem:s3], [sflag:s2] =	dma.local @!p0 [hbm:s0], s1  }
0xad: {  	s0 =	simm.s32 @!p0 $0x3  }
0xae: {  	_ =	swait.ge @!p0 [sflag:s0], s1  }
0xaf: {  	s1 =	ssub.s32 @!p0 $0x0, s1;
	[sflag:s0] =	ssyncset.done @!p0 $0x0  }
0xb0: {  	[sflag:s0] =	ssyncadd.s32 @!p0 s1  }
0xb1: {  	[bflag:$0x3] =	sbarrier.arrive $0xFFFF  }
0xb2: {  	_ =	shalt  }

// kernel: kernel.15.cloned.1.call-start
scs
__scs_entry_jumppad:
0x0: {  	(pc) =	sbr.rel $0x88, $3  }
0x1: {  	(tag) =	ssettag $0x0;
	lr =	simm.s32 $0x1  }
0x2: {  	[smem:$0x3F92] =	sst lr;
	_ =	strace $0xD0000000  }
0x3: {  	_ = 	snop  }
0x4: {  	_ = 	snop  }
0x5: {  	_ = 	snop  }
0x6: {  	_ = 	snop  }
0x7: {  	_ = 	snop  }
__scs_overlays_trampoline_lowered:
0x8: {  	[smem:$0x3FA1] =	sst s0  }
0x9: {  	[smem:$0x3FA2] =	sst s1  }
0xa: {  	[smem:$0x3FA3] =	sst s2  }
0xb: {  	[smem:$0x3FA4] =	sst s3  }
0xc: {  	[smem:$0x3FA5] =	sst s4  }
0xd: {  	[smem:$0x3FA6] =	sst s5  }
0xe: {  	[smem:$0x3FA7] =	sst s6  }
0xf: {  	[smem:$0x3FA8] =	sst s7  }
0x10: {  	[smem:$0x3FA9] =	sst s8  }
0x11: {  	[smem:$0x3FAA] =	sst s9;
	s0 =	simm.s32 @!p0 $0x0  }
0x12: {  	s1 =	sld [smem:$0x3F90];
	s0 =	simm.s32 @p0 $0x1  }
0x13: {  	[smem:$0x3FAB] =	sst s0;
	s0 =	simm.s32 @!p1 $0x0  }
0x14: {  	s2 =	sld [smem:$0x3F8F];
	s0 =	simm.s32 @p1 $0x1  }
0x15: {  	[smem:$0x3FAC] =	sst s0;
	s0 =	simm.s32 @!p2 $0x0  }
0x16: {  	s3 =	sld [smem:$0x3FDB];
	s0 =	simm.s32 @p2 $0x1  }
0x17: {  	s4 =	simm.s32 $0x1BF5;
	[smem:$0x3FAE] =	sst s0  }
0x18: {  	s0 =	sld [smem:$0x3F91];
	_ =	swait.ge [sflag:s4], $0x0  }
0x19: {  	s7 =	sld [smem:$0x3F92]  }
0x1a: {  	s8 =	sadd.s32 $0xFFFFE003, lr  }
0x1b: {  	s9 =	sadd.s32 $0xFFFFFEF7, lr;
	s5 =	simm.s32 $0xFFFFFFFF;
	p2 =	slt.u32 s8, $0xFFFFF086  }
0x1c: {  	p1 =	slt.u32 s9, $0xF7A;
	s5 =	simm.s32 @!p2 $0x0  }
0x1d: {  	s5 =	simm.s32 @p1 $0x1;
	p0 =	seq.s32 s7, s2  }
0x1e: {  	s7 =	smul.u32 @!p0 $0xF7A, s2;
	p2 =	seq.s32 @!p0 s5, $0x0  }
0x1f: {  	s9 =	smul.u32 $0xF7A, s1;
	s8 =	simm.s32 @!p0 $0x1BF5;
	p2 =	por !p2, p0  }
0x20: {  	[sflag:s8] =	ssyncset.s32 @!p0 $0xFFFFF086;
	s6 =	sadd.s32 @!p0 s3, s7;
	s7 =	simm.s32 @!p0 $0x108  }
0x21: {  	s3 =	sadd.s32 s3, s9;
	s6 =	sadd.s32 @!p0 $0x88, s6;
	s7 =	simm.s32 @p2 $0x1082  }
0x22: {  	[simem:s7], [sflag:s8] =	dma.local @!p0 [hbm:s6], $0xF7A  }
0x23: {  	s9 =	sor.u32 $0xD0000000, s2;
	s6 =	simm.s32 $0x108;
	_ =	swait.ge @!p0 [sflag:s8], $0x0  }
0x24: {  	s3 =	sadd.s32 $0x88, s3;
	s6 =	simm.s32 @!p1 $0x1082;
	[sflag:s4] =	ssyncset.s32 $0xFFFFF086  }
0x25: {  	[simem:s6], [sflag:s4] =	dma.local [hbm:s3], $0xF7A  }
0x26: {  	[smem:$0x3F92] =	sst s1;
	(tag) =	ssettag s2;
	_ =	strace s9  }
0x27: {  	s1 =	sld [smem:$0x3FA2]  }
0x28: {  	s2 =	sld [smem:$0x3FA3]  }
0x29: {  	s4 =	sld [smem:$0x3FA5]  }
0x2a: {  	p0 =	seq.s32 s5, $0x0;
	s5 =	sld [smem:$0x3FA6]  }
0x2b: {  	s6 =	sld [smem:$0x3FA7]  }
0x2c: {  	s7 =	sld [smem:$0x3FA8]  }
0x2d: {  	s3 =	simm.s32 $0x108;
	s8 =	sld [smem:$0x3FA9]  }
0x2e: {  	s3 =	simm.s32 @!p0 $0x1082;
	s9 =	sld [smem:$0x3FAA]  }
0x2f: {  	lr =	sadd.s32 s0, s3;
	s0 =	sld [smem:$0x3FA1]  }
0x30: {  	s3 =	sld [smem:$0x3FA4]  }
0x31: {  	[smem:$0x3FAD] =	sst s10  }
0x32: {  	s10 =	sld [smem:$0x3FAB];
	_ =	sdelay $0x3  }
0x33: {  	p0 =	seq.s32 s10, $0x1;
	s10 =	sld [smem:$0x3FAD];
	_ =	sdelay $0x3  }
0x34: {  	[smem:$0x3FAD] =	sst s10  }
0x35: {  	s10 =	sld [smem:$0x3FAC];
	_ =	sdelay $0x3  }
0x36: {  	p1 =	seq.s32 s10, $0x1;
	s10 =	sld [smem:$0x3FAD];
	_ =	sdelay $0x3  }
0x37: {  	[smem:$0x3FAD] =	sst s10  }
0x38: {  	s10 =	sld [smem:$0x3FAE]  }
0x39: {  	_ = 	snop;
	(pc) =	sbr.ind lr, $3  }
0x3a: {  	_ = 	snop  }
0x3b: {  	_ = 	snop  }
0x3c: {  	p2 =	seq.s32 s10, $0x1;
	s10 =	sld [smem:$0x3FAD]  }
0x3d: {  	_ =	shalt  }
0x3e: {  	_ =	shalt  }
0x3f: {  	_ =	shalt  }
0x40: {  	_ =	shalt  }
0x41: {  	_ =	shalt  }
0x42: {  	_ =	shalt  }
0x43: {  	_ =	shalt  }
0x44: {  	_ =	shalt  }
0x45: {  	_ =	shalt  }
0x46: {  	_ =	shalt  }
0x47: {  	_ =	shalt  }
0x48: {  	_ =	shalt  }
0x49: {  	_ =	shalt  }
0x4a: {  	_ =	shalt  }
0x4b: {  	_ =	shalt  }
0x4c: {  	_ =	shalt  }
0x4d: {  	_ =	shalt  }
0x4e: {  	_ =	shalt  }
0x4f: {  	_ =	shalt  }
0x50: {  	_ =	shalt  }
0x51: {  	_ =	shalt  }
0x52: {  	_ =	shalt  }
0x53: {  	_ =	shalt  }
0x54: {  	_ =	shalt  }
0x55: {  	_ =	shalt  }
0x56: {  	_ =	shalt  }
0x57: {  	_ =	shalt  }
0x58: {  	_ =	shalt  }
0x59: {  	_ =	shalt  }
0x5a: {  	_ =	shalt  }
0x5b: {  	_ =	shalt  }
0x5c: {  	_ =	shalt  }
0x5d: {  	_ =	shalt  }
0x5e: {  	_ =	shalt  }
0x5f: {  	_ =	shalt  }
0x60: {  	_ =	shalt  }
0x61: {  	_ =	shalt  }
0x62: {  	_ =	shalt  }
0x63: {  	_ =	shalt  }
0x64: {  	_ =	shalt  }
0x65: {  	_ =	shalt  }
0x66: {  	_ =	shalt  }
0x67: {  	_ =	shalt  }
0x68: {  	_ =	shalt  }
0x69: {  	_ =	shalt  }
0x6a: {  	_ =	shalt  }
0x6b: {  	_ =	shalt  }
0x6c: {  	_ =	shalt  }
0x6d: {  	_ =	shalt  }
0x6e: {  	_ =	shalt  }
0x6f: {  	_ =	shalt  }
0x70: {  	_ =	shalt  }
0x71: {  	_ =	shalt  }
0x72: {  	_ =	shalt  }
0x73: {  	_ =	shalt  }
0x74: {  	_ =	shalt  }
0x75: {  	_ =	shalt  }
0x76: {  	_ =	shalt  }
0x77: {  	_ =	shalt  }
0x78: {  	_ =	shalt  }
0x79: {  	_ =	shalt  }
0x7a: {  	_ =	shalt  }
0x7b: {  	_ =	shalt  }
0x7c: {  	_ =	shalt  }
0x7d: {  	_ =	shalt  }
0x7e: {  	_ =	shalt  }
0x7f: {  	_ =	shalt  }
0x80: {  	_ =	shalt  }
0x81: {  	_ =	shalt  }
0x82: {  	_ =	shalt  }
0x83: {  	_ =	shalt  }
0x84: {  	_ =	shalt  }
0x85: {  	_ =	shalt  }
0x86: {  	_ =	shalt  }
0x87: {  	_ =	shalt  }
.Lfunc_end0:
.L_simem_size_0:
called_computation.2_lowered:
.L_overlay_start_0:
0x88: {  	s2 =	sld [smem:$0x3FD9]  }
0x89: {  	s3 =	sld [smem:$0x3FFE];
	_ =	sdelay $0x1  }
0x8a: {  	s1 =	srdreg.scid  }
0x8b: {  	s0 =	sand.u32 $0x1, s1  }
0x8c: {  	s17 =	sshll.u32 s0, $0xA;
	s2 =	sadd.s32 s3, s2  }
0x8d: {  	s2 =	sadd.s32 s2, s17  }
0x8e: {  	[smem:$0x3FB9] =	sst s2  }
0x8f: {  	_ = 	snop  }
0x90: {  	s2 =	sld [smem:$0x3FD0];
	(tm) =	ssettm $0x1  }
0x91: {  	s18 =	sld [smem:$0x3FFB];
	_ =	sdelay $0x3  }
0x92: {  	_ =	strace s18  }
0x93: {  	s3 =	sld [smem:$0x3FFC];
	_ =	sdelay $0x3  }
0x94: {  	_ =	strace s3  }
0x95: {  	s3 =	sld [smem:$0x3FFD];
	_ =	sdelay $0x3  }
0x96: {  	_ =	strace s3  }
0x97: {  	_ =	strace $0x8FFFFFFF  }
0x98: {  	s19 =	sld [smem:$0x3FDB];
	_ =	sdelay $0x1  }
0x99: {  	s4 =	simm.s32 $_scs_section_size  }
0x9a: {  	s5 =	simm.s32 $_size__tile_overlayer_lowered;
	s6 =	simm.s32 $_tile_overlayer_lowered  }
0x9b: {  	s22 =	simm.s32 $0x1BFF;
	s21 =	sshll.u32 s6, $0x1;
	s3 =	sadd.s32 s4, s19  }
0x9c: {  	s7 =	simm.s32 $0x0;
	s20 =	sshll.u32 s5, $0x1;
	s5 =	sadd.s32 s21, s3  }
0x9d: {  	[timem:s7], [sflag:s22] =	dma.local [hbm:s5], s20  }
0x9e: {  	_ =	swait.ge [sflag:s22], s20  }
0x9f: {  	s4 =	ssub.s32 $0x0, s20;
	[sflag:s22] =	ssyncset.done $0x0  }
0xa0: {  	[sflag:s22] =	ssyncadd.s32 s4;
	_ =	sdelay $0x1  }
0xa1: {  	s23 =	simm.s32 $0x1B8B  }
0xa2: {  	_ =	swait.ge [sflag:s23], $0x1  }
0xa3: {  	[sflag:s23] =	ssyncset.done $0x0  }
0xa4: {  	s25 =	simm.s32 $0x1B8E;
	s24 =	sld [smem:$0x3FFE];
	[sflag:s23] =	ssyncadd.s32 $0xFFFFFFFF  }
0xa5: {  	s26 =	simm.s32 $execute0_lowered;
	[smem:$0x3FD2] =	sst s25  }
0xa6: {  	s5 =	sshll.u32 s26, $0x1;
	_ =	strace $0x8000004C;
	[dreg:$0x1] =	wrdreg $0xFFFFFFFF  }
0xa7: {  	s28 =	simm.s32 $_size_execute0_lowered;
	s3 =	sadd.s32 s3, s5;
	[dreg:$0x0] =	wrdreg $0x0  }
0xa8: {  	s5 =	sshll.u32 s28, $0x1;
	[dreg:$0x2] =	wrdreg s3  }
0xa9: {  	[dreg:$0x3] =	wrdreg s5  }
0xaa: {  	[dreg:$0x4] =	wrdreg $0xC0  }
0xab: {  	_ =	task [dreg:s7], $0x5FFFF  }
0xac: {  	[dreg:$0x1] =	wrdreg $0xFFFFFFFF  }
0xad: {  	[dreg:$0x0] =	wrdreg $0x60  }
0xae: {  	[dreg:$0x2] =	wrdreg s24  }
0xaf: {  	[dreg:$0x3] =	wrdreg s2  }
0xb0: {  	[dreg:$0x4] =	wrdreg $0x52000  }
0xb1: {  	[dreg:$0x5] =	wrdreg $0x9  }
0xb2: {  	_ =	task.clear_ibuf [dreg:s7], $0x6FFFF;
	_ =	strace $0x9000004C  }
0xb3: {  	s29 =	simm.s32 $0x9;
	_ =	strace $0x8000004E  }
0xb4: {  	_ =	swait.ge [sflag:s29], $0x1  }
0xb5: {  	[sflag:s29] =	ssyncadd.s32 $0xFFFFFFFF  }
0xb6: {  	_ =	strace $0x9000004E  }
0xb7: {  	_ =	sfence  }
0xb8: {  	s30 =	sld [smem:$0x0];
	_ =	sdelay $0x2  }
0xb9: {  	s31 =	sshll.u32 s1, $0xD;
	s1 =	sshrl.u32 s1, $0x2  }
0xba: {  	s3 =	sand.u32 $0x4000, s31;
	s1 =	sadd.s32 s1, s30  }
0xbb: {  	s0 =	sor.u32 s3, s0;
	s1 =	sshll.u32 s1, $0x11  }
0xbc: {  	s0 =	sor.u32 s1, s0  }
0xbd: {  	s0 =	sadd.s32 $0x8F2B, s0  }
0xbe: {  	[sflag:s0] =	ssyncadd.remote.s32 $0x1  }
0xbf: {  	_ =	sfence.sel $0xFFFF  }
0xc0: {  	[dreg:$0x0] =	wrdreg $0xFFFFFFFF;
	(pc) =	sbr.abs _section_cstart, $3  }
0xc1: {  	[dreg:$0x1] =	wrdreg $0xFFFFFFFF  }
0xc2: {  	_ =	task.clear_ibuf [dreg:s7], $0x2FFFF;
	_ =	strace $0x9FFFFFFF  }
0xc3: {  	(tm) =	ssettm $0x7FFFFFFF  }
tec
execute0_lowered:
.L_overlay_start_1:
0x0: {  	(tag) =	ssettag $0x1  }
0x1: {  	s5 =	rddreg [dreg:$0x0]  }
0x2: {  	s14 =	rddreg [dreg:$0x1]  }
0x3: {  	s2 =	rddreg [dreg:$0x2]  }
0x4: {  	s1 =	stileid.u32;
	s4 =	srdreg.scid  }
0x5: {  	s3 =	simm.s32 $0x0;
	s19 =	simm.s32 $0x200;
	s6 =	smul.u32 $0x13C00, s1  }
0x6: {  	s20 =	simm.s32 $0x80;
	s8 =	sand.u32 $0x1, s4;
	s11 =	smul.u32 $0x4F000, s1  }
0x7: {  	[smem:$0x7FF] =	sst s3;
	s4 =	sadd.s32 $0x45600, s5;
	s18 =	smul.u32 $0x4EC, s1  }
0x8: {  	s12 =	sadd.s32 $0x4000, s5;
	s28 =	sshll.u32 s1, $0x6;
	s7 =	smul.u32 $0x13C000, s8  }
0x9: {  	_ =	strace $0x8000004D;
	s22 =	ssub.s32 $0x2, s8;
	s10 =	sshll.u32 s8, $0x4  }
0xa: {  	s17 =	smul.u32 $0x4EC0, s8;
	s9 =	sshrl.u32 s6, $0x3;
	s23 =	sshrl.u32 s22, $0x1  }
0xb: {  	s24 =	sor.u32 s1, s10;
	s25 =	sshrl.u32 s11, $0x2;
	s6 =	sadd.s32 s6, s7  }
0xc: {  	s21 =	sadd.s32 s9, s5;
	s15 =	ssub.s32 s22, s23;
	s26 =	smul.u32 $0x2760, s24  }
0xd: {  	s16 =	sadd.s32 s25, s2;
	s29 =	smul.u32 $0x4EC, s24;
	s31 =	sadd.s32 s17, s12  }
0xe: {  	s22 =	simm.s32 $0x2A00;
	s23 =	simm.s32 $0x1;
	s6 =	sshrl.u32 s6, $0x3  }
0xf: {  	s24 =	simm.s32 $0x2;
	s25 =	simm.s32 $0x0;
	s13 =	sadd.s32 s6, s5  }
0x10: {  	s5 =	sadd.s32 $0x1DE00, s21;
	s6 =	sor.u32 $0x1C03, s28;
	s9 =	sshrl.u32 s26, $0x3  }
0x11: {  	s7 =	sadd.s32 s12, s29;
	s8 =	sadd.s32 s14, s29;
	s21 =	simm.s32 $0x180  }
0x12: {  	s30 =	sadd.s32 $0xA, s9;
	s11 =	sadd.s32 $0x6CE00, s13;
	s13 =	sadd.s32 s18, s31  }
0x13: {  	s9 =	sadd.s32 s12, s30;
	s10 =	sadd.s32 s14, s30;
	s12 =	smax.u32 s15, $0x1  }
0x14: {  	s14 =	sadd.s32 s17, s14;
	s15 =	sshrl.u32 s16, $0x3;
	s16 =	simm.s32 $0x3  }
0x15: {  	s17 =	simm.s32 $0x100;
	s14 =	sadd.s32 s18, s14;
	s18 =	simm.s32 $0x50  }
.LBB2_1:
0x16: {  	[spmem:s15], [sflag:s6] =	dma.local [hbm:s5], $0x2780  }
0x17: {  	_ =	swait.ge [sflag:s16], $0x2780  }
0x18: {  	[sflag:s16] =	ssyncset.done $0x0  }
0x19: {  	[sflag:s16] =	ssyncadd.s32 $0xFFFFD880  }
0x1a: {  	[tilespmem:s3], [sflag:$0x3] =	stream.linear.gather [hbm4b:s7+s3], $0x50, $0x38;
	[tilespmem:$0x18E00] =	vst v63  }
0x1b: {  	_ =	swait.ge [sflag:s16], $0x50  }
0x1c: {  	[sflag:s16] =	ssyncset.done $0x0  }
0x1d: {  	[sflag:s16] =	ssyncadd.s32 $0xFFFFFFB0  }
0x1e: {  	[tilespmem:s17], [sflag:$0x3] =	stream.linear.gather [hbm4b:s8+s3], $0x50, $0x38;
	[tilespmem:$0x18E00] =	vst v63  }
0x1f: {  	_ =	swait.ge [sflag:s16], $0x50  }
0x20: {  	[sflag:s16] =	ssyncset.done $0x0  }
0x21: {  	[sflag:s16] =	ssyncadd.s32 $0xFFFFFFB0  }
0x22: {  	[tilespmem:s19], [sflag:$0x1] =	stream.indirect.gather [hbm4b:s4+s18], $0x80, s3, s18, $0xb8;
	[tilespmem:$0x18E00] =	vst v63  }
0x23: {  	[bflag:$0x0] =	sbarrier.arrive $0xFFFF  }
0x24: {  	[tilespmem:s20], [sflag:$0x3] =	stream.linear.gather [hbm4b:s9+s3], $0x50, $0x38;
	[tilespmem:$0x18E00] =	vst v63  }
0x25: {  	_ =	swait.ge [sflag:s16], $0x50  }
0x26: {  	[sflag:s16] =	ssyncset.done $0x0  }
0x27: {  	[sflag:s16] =	ssyncadd.s32 $0xFFFFFFB0  }
0x28: {  	[tilespmem:s21], [sflag:$0x3] =	stream.linear.gather [hbm4b:s10+s3], $0x50, $0x38;
	[tilespmem:$0x18E00] =	vst v63  }
0x29: {  	_ =	swait.ge [sflag:s16], $0x50  }
0x2a: {  	[sflag:s16] =	ssyncset.done $0x0  }
0x2b: {  	[sflag:s16] =	ssyncadd.s32 $0xFFFFFFB0  }
0x2c: {  	[tilespmem:s22], [sflag:$0x2] =	stream.indirect.gather [hbm4b:s4+s18], $0x80, s20, s18, $0xb8;
	[tilespmem:$0x18E00] =	vst v63  }
0x2d: {  	_ =	swait.ge [sflag:s23], $0x2800  }
0x2e: {  	[sflag:s23] =	ssyncset.done $0x0  }
0x2f: {  	[sflag:s23] =	ssyncadd.s32 $0xFFFFD800  }
0x30: {  	[spmem:s2] =	stream.indirect.scatter.add.f32 [tilespmem:s19], [sflag:$0x3], $0x80, s17, s18, $0xb8;
	[tilespmem:$0x18E00] =	vst v63  }
0x31: {  	_ =	swait.ge [sflag:s16], $0x2800  }
0x32: {  	s26 =	sadd.s32 $0x0, s13;
	[sflag:s16] =	ssyncset.done $0x0  }
0x33: {  	s28 =	sadd.s32 $0x14, s26;
	[sflag:s16] =	ssyncadd.s32 $0xFFFFD800  }
0x34: {  	[tilespmem:s3], [sflag:$0x3] =	stream.linear.gather [hbm4b:s28+s3], $0x50, $0x38;
	[tilespmem:$0x18E00] =	vst v63  }
0x35: {  	_ =	swait.ge [sflag:s16], $0x50  }
0x36: {  	s0 =	sadd.s32 $0x0, s14;
	[sflag:s16] =	ssyncset.done $0x0  }
0x37: {  	s29 =	sadd.s32 $0x14, s0;
	[sflag:s16] =	ssyncadd.s32 $0xFFFFFFB0  }
0x38: {  	[tilespmem:s17], [sflag:$0x3] =	stream.linear.gather [hbm4b:s29+s3], $0x50, $0x38;
	[tilespmem:$0x18E00] =	vst v63  }
0x39: {  	_ =	swait.ge [sflag:s16], $0x50  }
0x3a: {  	[sflag:s16] =	ssyncset.done $0x0  }
0x3b: {  	[sflag:s16] =	ssyncadd.s32 $0xFFFFFFB0  }
0x3c: {  	[tilespmem:s19], [sflag:$0x1] =	stream.indirect.gather [hbm4b:s4+s18], $0x80, s3, s18, $0xb8;
	[tilespmem:$0x18E00] =	vst v63  }
0x3d: {  	_ =	swait.ge [sflag:s24], $0x2800  }
0x3e: {  	[sflag:s24] =	ssyncset.done $0x0  }
0x3f: {  	[sflag:s24] =	ssyncadd.s32 $0xFFFFD800  }
0x40: {  	[spmem:s2] =	stream.indirect.scatter.add.f32 [tilespmem:s22], [sflag:$0x3], $0x80, s21, s18, $0xb8;
	[tilespmem:$0x18E00] =	vst v63  }
0x41: {  	_ =	swait.ge [sflag:s16], $0x2800  }
0x42: {  	[sflag:s16] =	ssyncset.done $0x0  }
0x43: {  	s26 =	sadd.s32 $0x1E, s26;
	[sflag:s16] =	ssyncadd.s32 $0xFFFFD800  }
0x44: {  	[tilespmem:s20], [sflag:$0x3] =	stream.linear.gather [hbm4b:s26+s3], $0x50, $0x38;
	[tilespmem:$0x18E00] =	vst v63  }
0x45: {  	_ =	swait.ge [sflag:s16], $0x50  }
0x46: {  	[sflag:s16] =	ssyncset.done $0x0  }
0x47: {  	s31 =	sadd.s32 $0x1E, s0;
	[sflag:s16] =	ssyncadd.s32 $0xFFFFFFB0  }
0x48: {  	[tilespmem:s21], [sflag:$0x3] =	stream.linear.gather [hbm4b:s31+s3], $0x50, $0x38;
	[tilespmem:$0x18E00] =	vst v63  }
0x49: {  	_ =	swait.ge [sflag:s16], $0x50  }
0x4a: {  	[sflag:s16] =	ssyncset.done $0x0  }
0x4b: {  	[sflag:s16] =	ssyncadd.s32 $0xFFFFFFB0  }
0x4c: {  	[tilespmem:s22], [sflag:$0x2] =	stream.indirect.gather [hbm4b:s4+s18], $0x80, s20, s18, $0xb8;
	[tilespmem:$0x18E00] =	vst v63  }
0x4d: {  	_ =	swait.ge [sflag:s23], $0x2800  }
0x4e: {  	[sflag:s23] =	ssyncset.done $0x0  }
0x4f: {  	[sflag:s23] =	ssyncadd.s32 $0xFFFFD800  }
0x50: {  	[spmem:s2] =	stream.indirect.scatter.add.f32 [tilespmem:s19], [sflag:$0x3], $0x80, s17, s18, $0xb8;
	[tilespmem:$0x18E00] =	vst v63  }
0x51: {  	s30 =	simm.s32 $0x28;
	_ =	swait.ge [sflag:s16], $0x2800  }
0x52: {  	s29 =	sadd.s32 $0x14, s13;
	s26 =	simm.s32 $0x14;
	[sflag:s16] =	ssyncset.done $0x0  }
.LBB2_2:
0x53: {  	s31 =	sadd.s32 $0x14, s29  }
0x54: {  	[sflag:s16] =	ssyncadd.s32 $0xFFFFD800;
	s0 =	smov.u32 s30;
	s28 =	sadd.s32 $0x14, s30  }
0x55: {  	[tilespmem:s3], [sflag:$0x3] =	stream.linear.gather [hbm4b:s31+s3], $0x50, $0x38;
	[tilespmem:$0x18E00] =	vst v63  }
0x56: {  	p0 =	sne.s32 s30, $0x4C4;
	_ =	swait.ge [sflag:s16], $0x50  }
0x57: {  	s30 =	sadd.s32 s26, s14;
	s26 =	smov.u32 s0;
	[sflag:s16] =	ssyncset.done $0x0  }
0x58: {  	s0 =	sadd.s32 $0x14, s30;
	[sflag:s16] =	ssyncadd.s32 $0xFFFFFFB0  }
0x59: {  	[tilespmem:s17], [sflag:$0x3] =	stream.linear.gather [hbm4b:s0+s3], $0x50, $0x38;
	[tilespmem:$0x18E00] =	vst v63  }
0x5a: {  	_ =	swait.ge [sflag:s16], $0x50  }
0x5b: {  	[sflag:s16] =	ssyncset.done $0x0  }
0x5c: {  	[sflag:s16] =	ssyncadd.s32 $0xFFFFFFB0  }
0x5d: {  	[tilespmem:s19], [sflag:$0x1] =	stream.indirect.gather [hbm4b:s4+s18], $0x80, s3, s18, $0xb8;
	[tilespmem:$0x18E00] =	vst v63  }
0x5e: {  	_ =	swait.ge [sflag:s24], $0x2800  }
0x5f: {  	[sflag:s24] =	ssyncset.done $0x0  }
0x60: {  	[sflag:s24] =	ssyncadd.s32 $0xFFFFD800  }
0x61: {  	[spmem:s2] =	stream.indirect.scatter.add.f32 [tilespmem:s22], [sflag:$0x3], $0x80, s21, s18, $0xb8;
	[tilespmem:$0x18E00] =	vst v63  }
0x62: {  	_ =	swait.ge [sflag:s16], $0x2800  }
0x63: {  	[sflag:s16] =	ssyncset.done $0x0  }
0x64: {  	s0 =	sadd.s32 $0x1E, s29;
	[sflag:s16] =	ssyncadd.s32 $0xFFFFD800  }
0x65: {  	[tilespmem:s20], [sflag:$0x3] =	stream.linear.gather [hbm4b:s0+s3], $0x50, $0x38;
	[tilespmem:$0x18E00] =	vst v63  }
0x66: {  	_ =	swait.ge [sflag:s16], $0x50  }
0x67: {  	[sflag:s16] =	ssyncset.done $0x0  }
0x68: {  	s0 =	sadd.s32 $0x1E, s30;
	[sflag:s16] =	ssyncadd.s32 $0xFFFFFFB0  }
0x69: {  	[tilespmem:s21], [sflag:$0x3] =	stream.linear.gather [hbm4b:s0+s3], $0x50, $0x38;
	[tilespmem:$0x18E00] =	vst v63  }
0x6a: {  	_ =	swait.ge [sflag:s16], $0x50  }
0x6b: {  	[sflag:s16] =	ssyncset.done $0x0  }
0x6c: {  	[sflag:s16] =	ssyncadd.s32 $0xFFFFFFB0  }
0x6d: {  	[tilespmem:s22], [sflag:$0x2] =	stream.indirect.gather [hbm4b:s4+s18], $0x80, s20, s18, $0xb8;
	[tilespmem:$0x18E00] =	vst v63  }
0x6e: {  	_ =	swait.ge [sflag:s23], $0x2800  }
.Ltmp0:
0x6f: {  	[sflag:s23] =	ssyncset.done $0x0;
	(pc) =	sbr.rel @p0 .LBB2_2-.Ltmp0, $4  }
0x70: {  	[sflag:s23] =	ssyncadd.s32 $0xFFFFD800  }
0x71: {  	[spmem:s2] =	stream.indirect.scatter.add.f32 [tilespmem:s19], [sflag:$0x3], $0x80, s17, s18, $0xb8;
	[tilespmem:$0x18E00] =	vst v63  }
0x72: {  	_ =	swait.ge [sflag:s16], $0x2800  }
0x73: {  	s29 =	sadd.s32 s26, s13;
	s30 =	smov.u32 s28;
	[sflag:s16] =	ssyncset.done $0x0  }
0x74: {  	s0 =	sadd.s32 $0x14, s29;
	[sflag:s16] =	ssyncadd.s32 $0xFFFFD800  }
0x75: {  	[tilespmem:s3], [sflag:$0x3] =	stream.linear.gather [hbm4b:s0+s3], $0x50, $0x38;
	[tilespmem:$0x18E00] =	vst v63  }
0x76: {  	_ =	swait.ge [sflag:s16], $0x50  }
0x77: {  	s30 =	sadd.s32 s26, s14;
	[sflag:s16] =	ssyncset.done $0x0  }
0x78: {  	s26 =	sadd.s32 $0x14, s30;
	[sflag:s16] =	ssyncadd.s32 $0xFFFFFFB0  }
0x79: {  	[tilespmem:s17], [sflag:$0x3] =	stream.linear.gather [hbm4b:s26+s3], $0x50, $0x38;
	[tilespmem:$0x18E00] =	vst v63  }
0x7a: {  	_ =	swait.ge [sflag:s16], $0x50  }
0x7b: {  	[sflag:s16] =	ssyncset.done $0x0  }
0x7c: {  	[sflag:s16] =	ssyncadd.s32 $0xFFFFFFB0  }
0x7d: {  	[tilespmem:s19], [sflag:$0x1] =	stream.indirect.gather [hbm4b:s4+s18], $0x80, s3, s18, $0xb8;
	[tilespmem:$0x18E00] =	vst v63  }
0x7e: {  	_ =	swait.ge [sflag:s24], $0x2800  }
0x7f: {  	[sflag:s24] =	ssyncset.done $0x0  }
0x80: {  	[sflag:s24] =	ssyncadd.s32 $0xFFFFD800  }
0x81: {  	[spmem:s2] =	stream.indirect.scatter.add.f32 [tilespmem:s22], [sflag:$0x3], $0x80, s21, s18, $0xb8;
	[tilespmem:$0x18E00] =	vst v63  }
0x82: {  	_ =	swait.ge [sflag:s16], $0x2800  }
0x83: {  	[sflag:s16] =	ssyncset.done $0x0  }
0x84: {  	s31 =	sadd.s32 $0x1E, s29;
	[sflag:s16] =	ssyncadd.s32 $0xFFFFD800  }
0x85: {  	[tilespmem:s20], [sflag:$0x3] =	stream.linear.gather [hbm4b:s31+s3], $0x50, $0x38;
	[tilespmem:$0x18E00] =	vst v63  }
0x86: {  	_ =	swait.ge [sflag:s16], $0x50  }
0x87: {  	[sflag:s16] =	ssyncset.done $0x0  }
0x88: {  	s0 =	sadd.s32 $0x1E, s30;
	[sflag:s16] =	ssyncadd.s32 $0xFFFFFFB0  }
0x89: {  	[tilespmem:s21], [sflag:$0x3] =	stream.linear.gather [hbm4b:s0+s3], $0x50, $0x38;
	[tilespmem:$0x18E00] =	vst v63  }
0x8a: {  	_ =	swait.ge [sflag:s16], $0x50  }
0x8b: {  	[sflag:s16] =	ssyncset.done $0x0  }
0x8c: {  	[sflag:s16] =	ssyncadd.s32 $0xFFFFFFB0  }
0x8d: {  	[tilespmem:s22], [sflag:$0x2] =	stream.indirect.gather [hbm4b:s4+s18], $0x80, s20, s18, $0xb8;
	[tilespmem:$0x18E00] =	vst v63  }
0x8e: {  	_ =	swait.ge [sflag:s23], $0x2800  }
0x8f: {  	[sflag:s23] =	ssyncset.done $0x0  }
0x90: {  	[sflag:s23] =	ssyncadd.s32 $0xFFFFD800  }
0x91: {  	[spmem:s2] =	stream.indirect.scatter.add.f32 [tilespmem:s19], [sflag:$0x3], $0x80, s17, s18, $0xb8;
	[tilespmem:$0x18E00] =	vst v63  }
0x92: {  	_ =	swait.ge [sflag:s16], $0x2800  }
0x93: {  	[sflag:s16] =	ssyncset.done $0x0  }
0x94: {  	[sflag:s16] =	ssyncadd.s32 $0xFFFFD800  }
0x95: {  	_ =	swait.ge [sflag:s24], $0x2800  }
0x96: {  	[sflag:s24] =	ssyncset.done $0x0  }
0x97: {  	[sflag:s24] =	ssyncadd.s32 $0xFFFFD800  }
0x98: {  	[spmem:s2] =	stream.indirect.scatter.add.f32 [tilespmem:s22], [sflag:$0x3], $0x80, s21, s18, $0xb8;
	[tilespmem:$0x18E00] =	vst v63  }
0x99: {  	_ =	swait.ge [sflag:s16], $0x2800  }
0x9a: {  	s25 =	sadd.s32 $0x1, s25;
	[sflag:s16] =	ssyncset.done $0x0  }
0x9b: {  	p0 =	sne.s32 s25, s12;
	[sflag:s16] =	ssyncadd.s32 $0xFFFFD800  }
.Ltmp1:
0x9c: {  	[bflag:$0x0] =	sbarrier.arrive $0xFFFF;
	(pc) =	sbr.rel @p0 .LBB2_1-.Ltmp1, $4  }
0x9d: {  	[hbm:s11], [sflag:s6] =	dma.local [spmem:s15], $0x2780  }
0x9e: {  	_ =	swait.ge [sflag:s16], $0x2780  }
0x9f: {  	[sflag:s16] =	ssyncset.done $0x0  }
0xa0: {  	[sflag:s16] =	ssyncadd.s32 $0xFFFFD880  }
0xa1: {  	_ =	sfence.sel $0x180000  }
0xa2: {  	[bflag:$0x0] =	sbarrier.arrive $0xFFFF  }
0xa3: {  	_ =	strace $0x9000004D  }
0xa4: {  	[bflag:$0x2] =	sbarrier.arrive $0xFFFF  }
0xa5: {  	p0 =	sne.s32 s1, $0x0;
	s0 =	rddreg [dreg:$0x3]  }
0xa6: {  	s0 =	sadd.s32 @!p0 $0x100000, s0  }
0xa7: {  	[sflag:s0] =	ssyncadd.tile.s32 @!p0 $0x1;
	_ =	shalt  }
.Lfunc_end2:
_tile_overlayer_lowered:
.L_overlay_start_2:
0xa8: {  	(tag) =	ssettag $0x2  }
0xa9: {  	s0 =	rddreg [dreg:$0x0];
	s2 =	stileid.u32  }
0xaa: {  	s1 =	rddreg [dreg:$0x1];
	p0 =	sne.s32 s2, $0x0  }
0xab: {  	s3 =	rddreg [dreg:$0x2];
	[bflag:$0x3] =	sbarrier.arrive $0xFFFF;
	s2 =	simm.s32 @!p0 $0x1C03  }
0xac: {  	[timem:s3], [sflag:s2] =	dma.local @!p0 [hbm:s0], s1  }
0xad: {  	s0 =	simm.s32 @!p0 $0x3  }
0xae: {  	_ =	swait.ge @!p0 [sflag:s0], s1  }
0xaf: {  	s1 =	ssub.s32 @!p0 $0x0, s1;
	[sflag:s0] =	ssyncset.done @!p0 $0x0  }
0xb0: {  	[sflag:s0] =	ssyncadd.s32 @!p0 s1  }
0xb1: {  	[bflag:$0x3] =	sbarrier.arrive $0xFFFF  }
0xb2: {  	_ =	shalt  }

// kernel: kernel.9.cloned.1.call-start
scs
__scs_entry_jumppad:
0x0: {  	(pc) =	sbr.rel $0x88, $3  }
0x1: {  	(tag) =	ssettag $0x0;
	lr =	simm.s32 $0x1  }
0x2: {  	[smem:$0x3F92] =	sst lr;
	_ =	strace $0xD0000000  }
0x3: {  	_ = 	snop  }
0x4: {  	_ = 	snop  }
0x5: {  	_ = 	snop  }
0x6: {  	_ = 	snop  }
0x7: {  	_ = 	snop  }
__scs_overlays_trampoline_lowered:
0x8: {  	[smem:$0x3FA1] =	sst s0  }
0x9: {  	[smem:$0x3FA2] =	sst s1  }
0xa: {  	[smem:$0x3FA3] =	sst s2  }
0xb: {  	[smem:$0x3FA4] =	sst s3  }
0xc: {  	[smem:$0x3FA5] =	sst s4  }
0xd: {  	[smem:$0x3FA6] =	sst s5  }
0xe: {  	[smem:$0x3FA7] =	sst s6  }
0xf: {  	[smem:$0x3FA8] =	sst s7  }
0x10: {  	[smem:$0x3FA9] =	sst s8  }
0x11: {  	[smem:$0x3FAA] =	sst s9;
	s0 =	simm.s32 @!p0 $0x0  }
0x12: {  	s1 =	sld [smem:$0x3F90];
	s0 =	simm.s32 @p0 $0x1  }
0x13: {  	[smem:$0x3FAB] =	sst s0;
	s0 =	simm.s32 @!p1 $0x0  }
0x14: {  	s2 =	sld [smem:$0x3F8F];
	s0 =	simm.s32 @p1 $0x1  }
0x15: {  	[smem:$0x3FAC] =	sst s0;
	s0 =	simm.s32 @!p2 $0x0  }
0x16: {  	s3 =	sld [smem:$0x3FDB];
	s0 =	simm.s32 @p2 $0x1  }
0x17: {  	s4 =	simm.s32 $0x1BF5;
	[smem:$0x3FAE] =	sst s0  }
0x18: {  	s0 =	sld [smem:$0x3F91];
	_ =	swait.ge [sflag:s4], $0x0  }
0x19: {  	s7 =	sld [smem:$0x3F92]  }
0x1a: {  	s8 =	sadd.s32 $0xFFFFE003, lr  }
0x1b: {  	s9 =	sadd.s32 $0xFFFFFEF7, lr;
	s5 =	simm.s32 $0xFFFFFFFF;
	p2 =	slt.u32 s8, $0xFFFFF086  }
0x1c: {  	p1 =	slt.u32 s9, $0xF7A;
	s5 =	simm.s32 @!p2 $0x0  }
0x1d: {  	s5 =	simm.s32 @p1 $0x1;
	p0 =	seq.s32 s7, s2  }
0x1e: {  	s7 =	smul.u32 @!p0 $0xF7A, s2;
	p2 =	seq.s32 @!p0 s5, $0x0  }
0x1f: {  	s9 =	smul.u32 $0xF7A, s1;
	s8 =	simm.s32 @!p0 $0x1BF5;
	p2 =	por !p2, p0  }
0x20: {  	[sflag:s8] =	ssyncset.s32 @!p0 $0xFFFFF086;
	s6 =	sadd.s32 @!p0 s3, s7;
	s7 =	simm.s32 @!p0 $0x108  }
0x21: {  	s3 =	sadd.s32 s3, s9;
	s6 =	sadd.s32 @!p0 $0x88, s6;
	s7 =	simm.s32 @p2 $0x1082  }
0x22: {  	[simem:s7], [sflag:s8] =	dma.local @!p0 [hbm:s6], $0xF7A  }
0x23: {  	s9 =	sor.u32 $0xD0000000, s2;
	s6 =	simm.s32 $0x108;
	_ =	swait.ge @!p0 [sflag:s8], $0x0  }
0x24: {  	s3 =	sadd.s32 $0x88, s3;
	s6 =	simm.s32 @!p1 $0x1082;
	[sflag:s4] =	ssyncset.s32 $0xFFFFF086  }
0x25: {  	[simem:s6], [sflag:s4] =	dma.local [hbm:s3], $0xF7A  }
0x26: {  	[smem:$0x3F92] =	sst s1;
	(tag) =	ssettag s2;
	_ =	strace s9  }
0x27: {  	s1 =	sld [smem:$0x3FA2]  }
0x28: {  	s2 =	sld [smem:$0x3FA3]  }
0x29: {  	s4 =	sld [smem:$0x3FA5]  }
0x2a: {  	p0 =	seq.s32 s5, $0x0;
	s5 =	sld [smem:$0x3FA6]  }
0x2b: {  	s6 =	sld [smem:$0x3FA7]  }
0x2c: {  	s7 =	sld [smem:$0x3FA8]  }
0x2d: {  	s3 =	simm.s32 $0x108;
	s8 =	sld [smem:$0x3FA9]  }
0x2e: {  	s3 =	simm.s32 @!p0 $0x1082;
	s9 =	sld [smem:$0x3FAA]  }
0x2f: {  	lr =	sadd.s32 s0, s3;
	s0 =	sld [smem:$0x3FA1]  }
0x30: {  	s3 =	sld [smem:$0x3FA4]  }
0x31: {  	[smem:$0x3FAD] =	sst s10  }
0x32: {  	s10 =	sld [smem:$0x3FAB];
	_ =	sdelay $0x3  }
0x33: {  	p0 =	seq.s32 s10, $0x1;
	s10 =	sld [smem:$0x3FAD];
	_ =	sdelay $0x3  }
0x34: {  	[smem:$0x3FAD] =	sst s10  }
0x35: {  	s10 =	sld [smem:$0x3FAC];
	_ =	sdelay $0x3  }
0x36: {  	p1 =	seq.s32 s10, $0x1;
	s10 =	sld [smem:$0x3FAD];
	_ =	sdelay $0x3  }
0x37: {  	[smem:$0x3FAD] =	sst s10  }
0x38: {  	s10 =	sld [smem:$0x3FAE]  }
0x39: {  	_ = 	snop;
	(pc) =	sbr.ind lr, $3  }
0x3a: {  	_ = 	snop  }
0x3b: {  	_ = 	snop  }
0x3c: {  	p2 =	seq.s32 s10, $0x1;
	s10 =	sld [smem:$0x3FAD]  }
0x3d: {  	_ =	shalt  }
0x3e: {  	_ =	shalt  }
0x3f: {  	_ =	shalt  }
0x40: {  	_ =	shalt  }
0x41: {  	_ =	shalt  }
0x42: {  	_ =	shalt  }
0x43: {  	_ =	shalt  }
0x44: {  	_ =	shalt  }
0x45: {  	_ =	shalt  }
0x46: {  	_ =	shalt  }
0x47: {  	_ =	shalt  }
0x48: {  	_ =	shalt  }
0x49: {  	_ =	shalt  }
0x4a: {  	_ =	shalt  }
0x4b: {  	_ =	shalt  }
0x4c: {  	_ =	shalt  }
0x4d: {  	_ =	shalt  }
0x4e: {  	_ =	shalt  }
0x4f: {  	_ =	shalt  }
0x50: {  	_ =	shalt  }
0x51: {  	_ =	shalt  }
0x52: {  	_ =	shalt  }
0x53: {  	_ =	shalt  }
0x54: {  	_ =	shalt  }
0x55: {  	_ =	shalt  }
0x56: {  	_ =	shalt  }
0x57: {  	_ =	shalt  }
0x58: {  	_ =	shalt  }
0x59: {  	_ =	shalt  }
0x5a: {  	_ =	shalt  }
0x5b: {  	_ =	shalt  }
0x5c: {  	_ =	shalt  }
0x5d: {  	_ =	shalt  }
0x5e: {  	_ =	shalt  }
0x5f: {  	_ =	shalt  }
0x60: {  	_ =	shalt  }
0x61: {  	_ =	shalt  }
0x62: {  	_ =	shalt  }
0x63: {  	_ =	shalt  }
0x64: {  	_ =	shalt  }
0x65: {  	_ =	shalt  }
0x66: {  	_ =	shalt  }
0x67: {  	_ =	shalt  }
0x68: {  	_ =	shalt  }
0x69: {  	_ =	shalt  }
0x6a: {  	_ =	shalt  }
0x6b: {  	_ =	shalt  }
0x6c: {  	_ =	shalt  }
0x6d: {  	_ =	shalt  }
0x6e: {  	_ =	shalt  }
0x6f: {  	_ =	shalt  }
0x70: {  	_ =	shalt  }
0x71: {  	_ =	shalt  }
0x72: {  	_ =	shalt  }
0x73: {  	_ =	shalt  }
0x74: {  	_ =	shalt  }
0x75: {  	_ =	shalt  }
0x76: {  	_ =	shalt  }
0x77: {  	_ =	shalt  }
0x78: {  	_ =	shalt  }
0x79: {  	_ =	shalt  }
0x7a: {  	_ =	shalt  }
0x7b: {  	_ =	shalt  }
0x7c: {  	_ =	shalt  }
0x7d: {  	_ =	shalt  }
0x7e: {  	_ =	shalt  }
0x7f: {  	_ =	shalt  }
0x80: {  	_ =	shalt  }
0x81: {  	_ =	shalt  }
0x82: {  	_ =	shalt  }
0x83: {  	_ =	shalt  }
0x84: {  	_ =	shalt  }
0x85: {  	_ =	shalt  }
0x86: {  	_ =	shalt  }
0x87: {  	_ =	shalt  }
.Lfunc_end0:
.L_simem_size_0:
called_computation_lowered:
.L_overlay_start_0:
0x88: {  	s2 =	sld [smem:$0x3FD9]  }
0x89: {  	s3 =	sld [smem:$0x3FFE];
	_ =	sdelay $0x1  }
0x8a: {  	s1 =	srdreg.scid  }
0x8b: {  	s0 =	sand.u32 $0x1, s1  }
0x8c: {  	s16 =	sshll.u32 s0, $0xA;
	s2 =	sadd.s32 s3, s2  }
0x8d: {  	s2 =	sadd.s32 s2, s16  }
0x8e: {  	[smem:$0x3FB9] =	sst s2  }
0x8f: {  	_ = 	snop  }
0x90: {  	(tm) =	ssettm $0x1  }
0x91: {  	s17 =	sld [smem:$0x3FFB];
	_ =	sdelay $0x3  }
0x92: {  	_ =	strace s17  }
0x93: {  	s2 =	sld [smem:$0x3FFC];
	_ =	sdelay $0x3  }
0x94: {  	_ =	strace s2  }
0x95: {  	s2 =	sld [smem:$0x3FFD];
	_ =	sdelay $0x3  }
0x96: {  	_ =	strace s2  }
0x97: {  	_ =	strace $0x8FFFFFFF  }
0x98: {  	s18 =	sld [smem:$0x3FDB];
	_ =	sdelay $0x1  }
0x99: {  	s19 =	simm.s32 $_scs_section_size  }
0x9a: {  	s4 =	simm.s32 $_size__tile_overlayer_lowered;
	s5 =	simm.s32 $_tile_overlayer_lowered  }
0x9b: {  	s22 =	simm.s32 $0x1BFF;
	s21 =	sshll.u32 s5, $0x1;
	s2 =	sadd.s32 s19, s18  }
0x9c: {  	s6 =	simm.s32 $0x0;
	s20 =	sshll.u32 s4, $0x1;
	s4 =	sadd.s32 s21, s2  }
0x9d: {  	[timem:s6], [sflag:s22] =	dma.local [hbm:s4], s20  }
0x9e: {  	_ =	swait.ge [sflag:s22], s20  }
0x9f: {  	s3 =	ssub.s32 $0x0, s20;
	[sflag:s22] =	ssyncset.done $0x0  }
0xa0: {  	[sflag:s22] =	ssyncadd.s32 s3;
	_ =	sdelay $0x1  }
0xa1: {  	s23 =	simm.s32 $0x1B8B  }
0xa2: {  	_ =	swait.ge [sflag:s23], $0x1  }
0xa3: {  	[sflag:s23] =	ssyncset.done $0x0  }
0xa4: {  	s25 =	simm.s32 $0x1B8E;
	s24 =	sld [smem:$0x3FFE];
	[sflag:s23] =	ssyncadd.s32 $0xFFFFFFFF  }
0xa5: {  	s26 =	simm.s32 $execute0_lowered;
	[smem:$0x3FD2] =	sst s25  }
0xa6: {  	s4 =	sshll.u32 s26, $0x1;
	_ =	strace $0x80000046;
	[dreg:$0x1] =	wrdreg $0xFFFFFFFF  }
0xa7: {  	s28 =	simm.s32 $_size_execute0_lowered;
	s2 =	sadd.s32 s2, s4;
	[dreg:$0x0] =	wrdreg $0x0  }
0xa8: {  	s4 =	sshll.u32 s28, $0x1;
	[dreg:$0x2] =	wrdreg s2  }
0xa9: {  	[dreg:$0x3] =	wrdreg s4  }
0xaa: {  	[dreg:$0x4] =	wrdreg $0xC0  }
0xab: {  	_ =	task [dreg:s6], $0x5FFFF  }
0xac: {  	[dreg:$0x1] =	wrdreg $0xFFFFFFFF  }
0xad: {  	[dreg:$0x0] =	wrdreg $0x60  }
0xae: {  	[dreg:$0x2] =	wrdreg s24  }
0xaf: {  	[dreg:$0x3] =	wrdreg $0x68000  }
0xb0: {  	[dreg:$0x4] =	wrdreg $0x9  }
0xb1: {  	_ =	task.clear_ibuf [dreg:s6], $0x5FFFF;
	_ =	strace $0x90000046  }
0xb2: {  	s29 =	simm.s32 $0x9;
	_ =	strace $0x80000048  }
0xb3: {  	_ =	swait.ge [sflag:s29], $0x1  }
0xb4: {  	[sflag:s29] =	ssyncadd.s32 $0xFFFFFFFF  }
0xb5: {  	_ =	strace $0x90000048  }
0xb6: {  	_ =	sfence  }
0xb7: {  	s30 =	sld [smem:$0x0];
	_ =	sdelay $0x2  }
0xb8: {  	s31 =	sshll.u32 s1, $0xD;
	s1 =	sshrl.u32 s1, $0x2  }
0xb9: {  	s3 =	sand.u32 $0x4000, s31;
	s1 =	sadd.s32 s1, s30  }
0xba: {  	s0 =	sor.u32 s3, s0;
	s1 =	sshll.u32 s1, $0x11  }
0xbb: {  	s0 =	sor.u32 s1, s0  }
0xbc: {  	s0 =	sadd.s32 $0x8F2B, s0  }
0xbd: {  	[sflag:s0] =	ssyncadd.remote.s32 $0x1  }
0xbe: {  	_ =	sfence.sel $0xFFFF  }
0xbf: {  	[dreg:$0x0] =	wrdreg $0xFFFFFFFF;
	(pc) =	sbr.abs _section_cstart, $3  }
0xc0: {  	[dreg:$0x1] =	wrdreg $0xFFFFFFFF  }
0xc1: {  	_ =	task.clear_ibuf [dreg:s6], $0x2FFFF;
	_ =	strace $0x9FFFFFFF  }
0xc2: {  	(tm) =	ssettm $0x7FFFFFFF  }
0xc3: {  	_ =	shalt  }
tec
execute0_lowered:
.L_overlay_start_1:
0x0: {  	(tag) =	ssettag $0x1  }
0x1: {  	s6 =	rddreg [dreg:$0x0]  }
0x2: {  	s2 =	rddreg [dreg:$0x1]  }
0x3: {  	s0 =	rddreg [dreg:$0x2]  }
0x4: {  	s1 =	stileid.u32;
	s4 =	srdreg.scid;
	s3 =	simm.s32 $0x0  }
0x5: {  	s12 =	simm.s32 $0x4000;
	s13 =	simm.s32 $0x50;
	s14 =	simm.s32 $0x1  }
0x6: {  	s15 =	simm.s32 $0x0;
	s5 =	smul.u32 $0x13C00, s1;
	s4 =	sand.u32 $0x1, s4  }
0x7: {  	[smem:$0x7FF] =	sst s3;
	s8 =	sshll.u32 s1, $0xB;
	s25 =	smul.u32 $0x4F000, s1  }
0x8: {  	s31 =	sshll.u32 s1, $0x6;
	s7 =	smul.u32 $0x13C000, s4;
	_ =	strace $0x80000047  }
0x9: {  	s8 =	sadd.s32 s8, s6;
	s26 =	ssub.s32 $0x2, s4;
	s4 =	sshll.u32 s4, $0xF  }
0xa: {  	s9 =	sshrl.u32 s5, $0x3;
	s11 =	sshrl.u32 s26, $0x1;
	s4 =	sadd.s32 s4, s8  }
0xb: {  	s28 =	sshrl.u32 s25, $0x2;
	s5 =	sadd.s32 s5, s7;
	s24 =	sadd.s32 s9, s6  }
0xc: {  	s29 =	ssub.s32 s26, s11;
	s4 =	sadd.s32 $0xDE00, s4;
	s30 =	sadd.s32 s28, s2  }
0xd: {  	s9 =	simm.s32 $0x2;
	s5 =	sshrl.u32 s5, $0x3;
	s8 =	smax.u32 s29, $0x1  }
0xe: {  	s11 =	sshrl.u32 s30, $0x3;
	s10 =	sadd.s32 s5, s6;
	s5 =	sadd.s32 $0x45600, s24  }
0xf: {  	s6 =	sadd.s32 $0x6CE00, s6;
	s7 =	sadd.s32 $0x6D400, s10;
	s10 =	sor.u32 $0x1C02, s31  }
.LBB2_1:
0x10: {  	[tilespmem:s3], [sflag:$0x2] =	stream.linear.gather [hbm4b:s4+s3], $0x3F00, $0x38;
	[tilespmem:$0x1A400] =	vst v63  }
0x11: {  	_ =	swait.ge [sflag:s9], $0x3F00  }
0x12: {  	[sflag:s9] =	ssyncset.done $0x0  }
0x13: {  	[sflag:s9] =	ssyncadd.s32 $0xFFFFC100  }
0x14: {  	[spmem:s11], [sflag:s10] =	dma.local [hbm:s5], $0x2780  }
0x15: {  	_ =	swait.ge [sflag:s9], $0x2780  }
0x16: {  	[sflag:s9] =	ssyncset.done $0x0  }
0x17: {  	[sflag:s9] =	ssyncadd.s32 $0xFFFFD880  }
0x18: {  	[tilespmem:s12], [sflag:$0x2] =	stream.linear.gather [hbm4b:s6+s3], $0x2800, $0x38;
	[tilespmem:$0x1A400] =	vst v63  }
0x19: {  	_ =	swait.ge [sflag:s9], $0x2800  }
0x1a: {  	[sflag:s9] =	ssyncset.done $0x0  }
0x1b: {  	[sflag:s9] =	ssyncadd.s32 $0xFFFFD800  }
0x1c: {  	s16 =	simm.s32 $0x0;
	[bflag:$0x0] =	sbarrier.arrive $0xFFFF  }
.LBB2_2:
0x1d: {  	p0 =	sne.s32 s16, $0xFA00  }
.Ltmp0:
0x1e: {  	_ = 	snop;
	(pc) =	sbr.rel @p0 .LBB2_2-.Ltmp0, $3  }
0x1f: {  	_ =	sdelay $0x1  }
0x20: {  	s17 =	sshra.s32 s16, $0x2;
	s16 =	sadd.s32 $0x200, s16  }
0x21: {  	[spmem:s2] =	stream.indirect.scatter.add.f32 [tilespmem:s12], [sflag:$0x1], $0x80, s17, s13, $0xb8;
	[tilespmem:$0x1A400] =	vst v63  }
0x22: {  	_ =	swait.ge [sflag:s14], $0x2800  }
0x23: {  	s16 =	simm.s32 $0x7D;
	[sflag:s14] =	ssyncset.done $0x0  }
.LBB2_4:
0x24: {  	p0 =	sne.s32 s16, $0x1;
	s16 =	sadd.s32 $0xFFFFFFFF, s16;
	[sflag:s14] =	ssyncadd.s32 $0xFFFFD800  }
.Ltmp1:
0x25: {  	(pc) =	sbr.rel @p0 .LBB2_4-.Ltmp1, $3  }
0x26: {  	_ =	sdelay $0x1  }
0x27: {  	_ =	swait.ge [sflag:s14], $0x2800  }
0x28: {  	[sflag:s14] =	ssyncset.done $0x0  }
0x29: {  	s15 =	sadd.s32 $0x1, s15  }
0x2a: {  	[sflag:s14] =	ssyncadd.s32 $0xFFFFD800;
	p0 =	sne.s32 s15, s8  }
.Ltmp2:
0x2b: {  	[bflag:$0x0] =	sbarrier.arrive $0xFFFF;
	(pc) =	sbr.rel @p0 .LBB2_1-.Ltmp2, $4  }
0x2c: {  	[hbm:s7], [sflag:s10] =	dma.local [spmem:s11], $0x2780  }
0x2d: {  	_ =	swait.ge [sflag:s9], $0x2780  }
0x2e: {  	[sflag:s9] =	ssyncset.done $0x0  }
0x2f: {  	[sflag:s9] =	ssyncadd.s32 $0xFFFFD880  }
0x30: {  	_ =	sfence.sel $0x180000  }
0x31: {  	[bflag:$0x0] =	sbarrier.arrive $0xFFFF  }
0x32: {  	p0 =	sne.s32 s1, $0x0;
	_ =	strace $0x90000047  }
0x33: {  	s0 =	sadd.s32 @!p0 $0x100000, s0;
	[bflag:$0x2] =	sbarrier.arrive $0xFFFF  }
0x34: {  	[sflag:s0] =	ssyncadd.tile.s32 @!p0 $0x1;
	_ =	shalt  }
.Lfunc_end2:
_tile_overlayer_lowered:
.L_overlay_start_2:
0x35: {  	(tag) =	ssettag $0x2  }
0x36: {  	s0 =	rddreg [dreg:$0x0];
	s2 =	stileid.u32  }
0x37: {  	s1 =	rddreg [dreg:$0x1];
	p0 =	sne.s32 s2, $0x0  }
0x38: {  	s3 =	rddreg [dreg:$0x2];
	[bflag:$0x3] =	sbarrier.arrive $0xFFFF;
	s2 =	simm.s32 @!p0 $0x1C02  }
0x39: {  	[timem:s3], [sflag:s2] =	dma.local @!p0 [hbm:s0], s1  }
0x3a: {  	s0 =	simm.s32 @!p0 $0x2  }
0x3b: {  	_ =	swait.ge @!p0 [sflag:s0], s1  }
0x3c: {  	s1 =	ssub.s32 @!p0 $0x0, s1;
	[sflag:s0] =	ssyncset.done @!p0 $0x0  }
0x3d: {  	[sflag:s0] =	ssyncadd.s32 @!p0 s1  }
0x3e: {  	[bflag:$0x3] =	sbarrier.arrive $0xFFFF  }
0x3f: {  	_ =	shalt  }

</sc_bundles>
